<compile_context>
chip_gen: v7x
topology: tpu7x:2x2x1
jax: 0.10.2.dev20260603
libtpu: 0.0.44.dev20260713+nightly
codegen_flags: <defaults>
</compile_context>

<pallas_src>
import jax
import jax.numpy as jnp
from jax import lax
from jax.experimental import pallas as pl
from jax.experimental.pallas import tpu as pltpu
from jax.experimental.pallas import tpu_sc as plsc

N = 100000
E = 1600000
F = 32
P = 12
O = 32
D = F * P

N_PAD = 102400
K = 2560
NCHUNK = N_PAD // K
SW = 3
ACCR = (K + 8) * SW

NC, NS = 2, 16
OUT_STRIPE = K * SW // NS
E_PAD = 1638400
EPC = E_PAD // NC
EPT_DEG = EPC // NS
DEG_BATCH = 128
DEG_ITERS = EPT_DEG // DEG_BATCH
DEG_STRIPE = N_PAD // NS

EPT = E_PAD // NS
SEG = 4096
NSEG = EPT // SEG
SEG_VREGS = SEG // 16
GB = 64
ZR = 16


def _mesh():
    return plsc.VectorSubcoreMesh(core_axis_name="c", subcore_axis_name="s")


def _deg_body(cols_hbm, deg_out, idx_ref, ones_ref, zbuf, degsh):
    c = lax.axis_index("c")
    s = lax.axis_index("s")
    for u in range(DEG_BATCH // 16):
        ones_ref[pl.ds(u * 16, 16)] = jnp.ones((16,), jnp.float32)

    def zb(i, _):
        zbuf[pl.ds(i * 16, 16)] = jnp.zeros((16,), jnp.float32)
        return 0

    lax.fori_loop(0, DEG_STRIPE // 16, zb, 0)
    pltpu.sync_copy(zbuf, degsh.at[pl.ds(s * DEG_STRIPE, DEG_STRIPE)])
    plsc.subcore_barrier()

    base = c * EPC + s * EPT_DEG

    def body(i, _):
        pltpu.sync_copy(cols_hbm.at[pl.ds(base + i * DEG_BATCH, DEG_BATCH)],
                        idx_ref)
        pltpu.sync_copy(ones_ref, degsh.at[idx_ref], add=True)
        return 0

    lax.fori_loop(0, DEG_ITERS, body, 0)
    plsc.subcore_barrier()
    pltpu.sync_copy(degsh.at[pl.ds(s * DEG_STRIPE, DEG_STRIPE)],
                    deg_out.at[c, pl.ds(s * DEG_STRIPE, DEG_STRIPE)])


def _deg_call(cols_pad):
    return pl.kernel(
        _deg_body,
        out_type=jax.ShapeDtypeStruct((NC, N_PAD), jnp.float32),
        mesh=_mesh(),
        scratch_types=[
            pltpu.VMEM((DEG_BATCH,), jnp.int32),
            pltpu.VMEM((DEG_BATCH,), jnp.float32),
            pltpu.VMEM((DEG_STRIPE,), jnp.float32),
            pltpu.VMEM_SHARED((N_PAD,), jnp.float32),
        ],
        compiler_params=pltpu.CompilerParams(needs_layout_passes=False),
    )(cols_pad)


def _agg_body(rows_hbm, cols_hbm, y_hbm, t_hbm,
              ebuf_r, ebuf_c, crows, ccols, glist, slist0, slist1,
              stage0, stage1, sem0, sem1, zbuf, accsh):
    c = lax.axis_index("c")
    s = lax.axis_index("s")
    tile_base = s * EPT

    def zf(i, _):
        r = i // 8
        q = i % 8
        zbuf[r, pl.ds(q * 16, 16)] = jnp.zeros((16,), jnp.float32)
        return 0

    lax.fori_loop(0, ZR * 8, zf, 0)

    def chunk_body(ci, _):
        chunk = c + NC * ci
        cbase = chunk * K

        def zcp(i, _):
            pltpu.sync_copy(zbuf, accsh.at[pl.ds(s * OUT_STRIPE + i * ZR, ZR)])
            return 0

        lax.fori_loop(0, OUT_STRIPE // ZR, zcp, 0)
        plsc.subcore_barrier()

        def do_flush(fc, bo, slist_b, stage_b, sem_b):
            @pl.when(fc >= 2)
            def _():
                pltpu.make_async_copy(stage_b, accsh.at[slist_b],
                                      sem_b).wait()

            def bld(u, _):
                rv = crows[pl.ds(bo + u * 16, 16)] * SW
                cv = ccols[pl.ds(bo + u * 16, 16)] * SW
                pos0 = (u * 16) * SW
                ii = lax.iota(jnp.int32, 16) * SW
                for q in range(SW):
                    plsc.store_scatter(glist, [ii + (pos0 + q)], rv + q)
                    plsc.store_scatter(slist_b, [ii + (pos0 + q)], cv + q)
                return 0

            lax.fori_loop(0, GB // 16, bld, 0)
            pltpu.sync_copy(y_hbm.at[glist], stage_b)
            pltpu.make_async_copy(stage_b, accsh.at[slist_b],
                                  sem_b).start(add=True)

        def seg_body(si, fc):
            ebase = tile_base + si * SEG
            pltpu.sync_copy(rows_hbm.at[pl.ds(ebase, SEG)], ebuf_r)
            pltpu.sync_copy(cols_hbm.at[pl.ds(ebase, SEG)], ebuf_c)

            def scan_body(j, cur):
                r16 = ebuf_r[pl.ds(j * 16, 16)]
                c16 = ebuf_c[pl.ds(j * 16, 16)]
                rel = c16 - cbase
                m = (rel >= 0) & (rel < K)
                pre = plsc.cumsum(m.astype(jnp.int32))
                idx = jnp.maximum(cur + pre - 1, 0)
                plsc.store_scatter(crows, [idx], r16, mask=m)
                plsc.store_scatter(ccols, [idx], rel, mask=m)
                return cur + pre[15]

            cur = lax.fori_loop(0, SEG_VREGS, scan_body, jnp.int32(0))
            for u in range(GB // 16):
                crows[pl.ds(cur + u * 16, 16)] = jnp.zeros((16,), jnp.int32)
                ccols[pl.ds(cur + u * 16, 16)] = jnp.full((16,), K, jnp.int32)
            nb = (cur + GB - 1) // GB

            def flush(bi, fc2):
                bo = bi * GB

                @pl.when(fc2 % 2 == 0)
                def _():
                    do_flush(fc2, bo, slist0, stage0, sem0)

                @pl.when(fc2 % 2 == 1)
                def _():
                    do_flush(fc2, bo, slist1, stage1, sem1)

                return fc2 + 1

            return lax.fori_loop(0, nb, flush, fc)

        fc = lax.fori_loop(0, NSEG, seg_body, jnp.int32(0))

        @pl.when((fc >= 1) & (fc % 2 == 1))
        def _():
            pltpu.make_async_copy(stage0, accsh.at[slist0], sem0).wait()

        @pl.when((fc >= 1) & (fc % 2 == 0))
        def _():
            pltpu.make_async_copy(stage1, accsh.at[slist1], sem1).wait()

        @pl.when((fc >= 2) & (fc % 2 == 1))
        def _():
            pltpu.make_async_copy(stage1, accsh.at[slist1], sem1).wait()

        @pl.when((fc >= 2) & (fc % 2 == 0))
        def _():
            pltpu.make_async_copy(stage0, accsh.at[slist0], sem0).wait()

        plsc.subcore_barrier()
        o0 = s * OUT_STRIPE
        pltpu.sync_copy(accsh.at[pl.ds(o0, OUT_STRIPE)],
                        t_hbm.at[pl.ds(cbase * SW + o0, OUT_STRIPE)])
        plsc.subcore_barrier()
        return 0

    lax.fori_loop(0, NCHUNK // NC, chunk_body, 0)


def _agg_call(rows_pad, cols_pad, y_hw):
    return pl.kernel(
        _agg_body,
        out_type=jax.ShapeDtypeStruct((N_PAD * SW, 128), jnp.float32),
        mesh=_mesh(),
        scratch_types=[
            pltpu.VMEM((SEG,), jnp.int32),
            pltpu.VMEM((SEG,), jnp.int32),
            pltpu.VMEM((SEG + 2 * GB,), jnp.int32),
            pltpu.VMEM((SEG + 2 * GB,), jnp.int32),
            pltpu.VMEM((GB * SW,), jnp.int32),
            pltpu.VMEM((GB * SW,), jnp.int32),
            pltpu.VMEM((GB * SW,), jnp.int32),
            pltpu.VMEM((GB * SW, 128), jnp.float32),
            pltpu.VMEM((GB * SW, 128), jnp.float32),
            pltpu.SemaphoreType.DMA,
            pltpu.SemaphoreType.DMA,
            pltpu.VMEM((ZR, 128), jnp.float32),
            pltpu.VMEM_SHARED((ACCR, 128), jnp.float32),
        ],
        compiler_params=pltpu.CompilerParams(needs_layout_passes=False),
    )(rows_pad, cols_pad, y_hw)


def _scale_body(deg_ref, x_ref, y_ref, dis_ref):
    d = deg_ref[:, 0:1] + deg_ref[:, 1:2] + 1.0
    dis = lax.rsqrt(d)
    y_ref[...] = x_ref[...] * dis
    dis_ref[...] = dis


def _scale_call(deg_t, x2):
    blk = 512
    return pl.pallas_call(
        _scale_body,
        grid=(N_PAD // blk,),
        in_specs=[
            pl.BlockSpec((blk, 2), lambda i: (i, 0)),
            pl.BlockSpec((blk, D), lambda i: (i, 0)),
        ],
        out_specs=[
            pl.BlockSpec((blk, D), lambda i: (i, 0)),
            pl.BlockSpec((blk, 1), lambda i: (i, 0)),
        ],
        out_shape=[
            jax.ShapeDtypeStruct((N_PAD, D), jnp.float32),
            jax.ShapeDtypeStruct((N_PAD, 1), jnp.float32),
        ],
    )(deg_t, x2)


def _dense_body(t_ref, y_ref, dis_ref, wz_ref, wlz_ref, bz_ref, blz_ref,
                wh_ref, wlh_ref, bh_ref, blh_ref, att_ref, wout_ref,
                bout_ref, out_ref):
    S = (t_ref[...] + y_ref[...]) * dis_ref[...]
    Wlz1 = wlz_ref[...][:, :O]
    Wlh1 = wlh_ref[...][:, :O]
    Mz = jnp.dot(Wlz1, wz_ref[...],
                 precision=lax.Precision.HIGHEST)
    Mh = jnp.dot(Wlh1, wh_ref[...], precision=lax.Precision.HIGHEST)
    ct = (((1,), (1,)), ((), ()))
    hp = lax.Precision.HIGHEST
    bz_eff = lax.dot_general(bz_ref[...], Wlz1, ct,
                             precision=hp) + blz_ref[...]
    bh_eff = lax.dot_general(bh_ref[...], Wlh1, ct,
                             precision=hp) + blh_ref[...]

    a = att_ref[...]
    e = jnp.exp(a - jnp.max(a))
    pcol = e / jnp.sum(e)

    blk = S.shape[0]
    Hacc = jnp.zeros((blk, O), jnp.float32)
    for t in range(P):
        St = S[:, t * F:(t + 1) * F]
        Az = lax.dot_general(St, Mz, ct, precision=hp) + bz_eff
        Z = 1.0 / (1.0 + jnp.exp(-Az))
        Ah = lax.dot_general(St, Mh, ct, precision=hp) + bh_eff
        Ht = jnp.tanh(Ah)
        Hacc = Hacc + pcol[t:t + 1, 0:1] * ((1.0 - Z) * Ht)
    Hr = jnp.maximum(Hacc, 0.0)
    out_ref[...] = lax.dot_general(Hr, wout_ref[...], ct,
                                   precision=hp) + bout_ref[...]


def _dense_call(t_agg, y, dis, W_z, Wl_z, b_z, bl_z, W_h, Wl_h, b_h, bl_h,
                att, W_out, b_out):
    blk = 512

    def whole(shape):
        nd = len(shape)
        return pl.BlockSpec(shape, lambda i, _nd=nd: (0,) * _nd)

    return pl.pallas_call(
        _dense_body,
        grid=(N_PAD // blk,),
        in_specs=[
            pl.BlockSpec((blk, D), lambda i: (i, 0)),
            pl.BlockSpec((blk, D), lambda i: (i, 0)),
            pl.BlockSpec((blk, 1), lambda i: (i, 0)),
            whole((O, F)), whole((O, 2 * O)), whole((1, O)), whole((1, O)),
            whole((O, F)), whole((O, 2 * O)), whole((1, O)), whole((1, O)),
            whole((P, 1)), whole((P, O)), whole((1, P)),
        ],
        out_specs=pl.BlockSpec((blk, P), lambda i: (i, 0)),
        out_shape=jax.ShapeDtypeStruct((N_PAD, P), jnp.float32),
    )(t_agg, y, dis, W_z, Wl_z, b_z, bl_z, W_h, Wl_h, b_h, bl_h, att, W_out,
      b_out)


def kernel(x, edge_index, W_z, b_z, Wl_z, bl_z, W_r, b_r, Wl_r, bl_r,
           W_h, b_h, Wl_h, bl_h, att, W_out, b_out):
    del W_r, b_r, Wl_r, bl_r
    row = edge_index[0]
    col = edge_index[1]
    rows_pad = jnp.concatenate(
        [row, jnp.zeros((E_PAD - E,), jnp.int32)])
    cols_pad = jnp.concatenate(
        [col, jnp.full((E_PAD - E,), N_PAD - 1, jnp.int32)])

    x2 = jnp.transpose(x, (0, 2, 1)).reshape(N, D)
    x2 = jnp.pad(x2, ((0, N_PAD - N), (0, 0)))

    deg2 = _deg_call(cols_pad)
    y, dis = _scale_call(deg2.T, x2)
    t_agg = _agg_call(rows_pad, cols_pad,
                      y.reshape(N_PAD * SW, 128)).reshape(N_PAD, D)
    out = _dense_call(
        t_agg, y, dis, W_z, Wl_z, b_z.reshape(1, O), bl_z.reshape(1, O),
        W_h, Wl_h, b_h.reshape(1, O), bl_h.reshape(1, O),
        att.reshape(P, 1), W_out, b_out.reshape(1, P))
    return out[:N]

# --- scband reference (transcript-rebuilt; emitter-appended) ---
"""Pipeline reference for scband-temporal-gcn-38568806318196 (READ-ONLY COPY).

The authoritative reference and input builder live on the scoring server;
editing this copy changes nothing except your own understanding.
"""

import jax, jax.numpy as jnp
import numpy as np

N_NODES = 100000
N_EDGES = 1600000
NUM_FEATS = 32
PERIODS = 12
OUT_CH = 32


def setup_inputs(seed: int = 0) -> dict:
    key = jax.random.key(seed)
    ks = jax.random.split(key, 20)
    inp = {}
    inp["x"] = jax.random.normal(ks[0], (N_NODES, NUM_FEATS, PERIODS), dtype=jnp.float32)
    inp["edge_index"] = jax.random.randint(ks[1], (2, N_EDGES), 0, N_NODES, dtype=jnp.int32)
    s_in = 1.0 / np.sqrt(NUM_FEATS)
    s_h = 1.0 / np.sqrt(2 * OUT_CH)
    i = 2
    for g in ["z", "r", "h"]:
        inp["W_" + g] = jax.random.uniform(ks[i], (OUT_CH, NUM_FEATS), jnp.float32, -s_in, s_in); i += 1
        inp["b_" + g] = jnp.zeros((OUT_CH,), jnp.float32)
        inp["Wl_" + g] = jax.random.uniform(ks[i], (OUT_CH, 2 * OUT_CH), jnp.float32, -s_h, s_h); i += 1
        inp["bl_" + g] = jnp.zeros((OUT_CH,), jnp.float32)
    inp["att"] = jax.random.uniform(ks[i], (PERIODS,), jnp.float32); i += 1
    s_o = 1.0 / np.sqrt(OUT_CH)
    inp["W_out"] = jax.random.uniform(ks[i], (PERIODS, OUT_CH), jnp.float32, -s_o, s_o); i += 1
    inp["b_out"] = jnp.zeros((PERIODS,), jnp.float32)
    return inp


def _forward(x, W_z, b_z, Wl_z, bl_z, W_r, b_r, Wl_r, bl_r, W_h, b_h, Wl_h, bl_h, att, W_out, b_out, edge_index):
    N = x.shape[0]
    loops = jnp.arange(N, dtype=edge_index.dtype)
    ei = jnp.concatenate([edge_index, jnp.stack([loops, loops])], axis=1)
    row, col = ei[0], ei[1]
    ew = jnp.ones(row.shape, x.dtype)
    # symmetric GCN normalization (deg^-1/2 A_hat deg^-1/2), aggregation at target=col
    deg = jax.ops.segment_sum(ew, col, num_segments=N)
    dis = jnp.where(deg > 0, 1.0 / jnp.sqrt(deg), 0.0)
    norm = dis[row] * ew * dis[col]

    def conv(xt, W, b):
        xw = xt @ W.T
        msg = norm[:, None] * xw[row]
        return jax.ops.segment_sum(msg, col, num_segments=N) + b

    probs = jax.nn.softmax(att)
    # A3TGCN: H is never carried across periods (stays the initial zeros state)
    H0 = jnp.zeros((N, OUT_CH), x.dtype)
    H_accum = jnp.zeros((N, OUT_CH), x.dtype)
    for t in range(PERIODS):
        xt = x[:, :, t]
        Z = jax.nn.sigmoid(jnp.concatenate([conv(xt, W_z, b_z), H0], axis=1) @ Wl_z.T + bl_z)
        R = jax.nn.sigmoid(jnp.concatenate([conv(xt, W_r, b_r), H0], axis=1) @ Wl_r.T + bl_r)
        H_tilde = jnp.tanh(jnp.concatenate([conv(xt, W_h, b_h), H0 * R], axis=1) @ Wl_h.T + bl_h)
        H = Z * H0 + (1.0 - Z) * H_tilde
        H_accum = H_accum + probs[t] * H
    h = jax.nn.relu(H_accum)
    return h @ W_out.T + b_out


def reference(x, edge_index, W_z, b_z, Wl_z, bl_z, W_r, b_r, Wl_r, bl_r, W_h, b_h, Wl_h, bl_h, att, W_out, b_out):
    return _forward(x, W_z, b_z, Wl_z, bl_z, W_r, b_r, Wl_r, bl_r, W_h, b_h, Wl_h, bl_h, att, W_out, b_out, edge_index)

if __name__ == "__main__":
    import jax
    _d = setup_inputs()
    print(jax.jit(kernel)(*tuple(_d.values())))

</pallas_src>

<mosaic_0001>
#map = affine_map<(d0, d1) -> (0)>
#map1 = affine_map<(d0, d1) -> (0, 0)>
module attributes {stable_mosaic.version = 14 : i64} {
  func.func @_deg_body(%arg0: i32, %arg1: i32, %arg2: memref<1638400xi32, #tpu.memory_space<hbm>>, %arg3: memref<2x102400xf32, #tpu.memory_space<hbm>>, %arg4: memref<128xi32, #tpu.memory_space<vmem>>, %arg5: memref<128xf32, #tpu.memory_space<vmem>>, %arg6: memref<6400xf32, #tpu.memory_space<vmem>>, %arg7: memref<102400xf32, #tpu.memory_space<vmem_shared>>) attributes {dimension_semantics = [#tpu.dimension_semantics<core_parallel>, #tpu.dimension_semantics<subcore_parallel>], iteration_bounds = array<i64: 2, 16>, scalar_prefetch = 0 : i64, scratch_operands = 4 : i64, tpu.core_type = #tpu.core_type<sc_vector_subcore>, window_params = [{transform_indices = #map}, {transform_indices = #map1}]} {
    %broadcast_in_dim3A = arith.constant 1.000000e+00 : f32
    %broadcast_in_dim3A_0 = vector.broadcast %broadcast_in_dim3A : f32 to vector<16xf32>
    %swap3A = arith.constant 0 : index
    %swap3A_1 = tpu.vector_load %arg5[%swap3A] {strides = array<i32>} : memref<128xf32, #tpu.memory_space<vmem>>, vector<16xf32>,
    tpu.vector_store %arg5[%swap3A], %broadcast_in_dim3A_0 {strides = array<i32>} : memref<128xf32, #tpu.memory_space<vmem>>, vector<16xf32>,
    %broadcast_in_dim3A_2 = arith.constant 1.000000e+00 : f32
    %broadcast_in_dim3A_3 = vector.broadcast %broadcast_in_dim3A_2 : f32 to vector<16xf32>
    %swap3A_4 = arith.constant 16 : index
    %swap3A_5 = tpu.vector_load %arg5[%swap3A_4] {strides = array<i32>} : memref<128xf32, #tpu.memory_space<vmem>>, vector<16xf32>,
    tpu.vector_store %arg5[%swap3A_4], %broadcast_in_dim3A_3 {strides = array<i32>} : memref<128xf32, #tpu.memory_space<vmem>>, vector<16xf32>,
    %broadcast_in_dim3A_6 = arith.constant 1.000000e+00 : f32
    %broadcast_in_dim3A_7 = vector.broadcast %broadcast_in_dim3A_6 : f32 to vector<16xf32>
    %swap3A_8 = arith.constant 32 : index
    %swap3A_9 = tpu.vector_load %arg5[%swap3A_8] {strides = array<i32>} : memref<128xf32, #tpu.memory_space<vmem>>, vector<16xf32>,
    tpu.vector_store %arg5[%swap3A_8], %broadcast_in_dim3A_7 {strides = array<i32>} : memref<128xf32, #tpu.memory_space<vmem>>, vector<16xf32>,
    %broadcast_in_dim3A_10 = arith.constant 1.000000e+00 : f32
    %broadcast_in_dim3A_11 = vector.broadcast %broadcast_in_dim3A_10 : f32 to vector<16xf32>
    %swap3A_12 = arith.constant 48 : index
    %swap3A_13 = tpu.vector_load %arg5[%swap3A_12] {strides = array<i32>} : memref<128xf32, #tpu.memory_space<vmem>>, vector<16xf32>,
    tpu.vector_store %arg5[%swap3A_12], %broadcast_in_dim3A_11 {strides = array<i32>} : memref<128xf32, #tpu.memory_space<vmem>>, vector<16xf32>,
    %broadcast_in_dim3A_14 = arith.constant 1.000000e+00 : f32
    %broadcast_in_dim3A_15 = vector.broadcast %broadcast_in_dim3A_14 : f32 to vector<16xf32>
    %swap3A_16 = arith.constant 64 : index
    %swap3A_17 = tpu.vector_load %arg5[%swap3A_16] {strides = array<i32>} : memref<128xf32, #tpu.memory_space<vmem>>, vector<16xf32>,
    tpu.vector_store %arg5[%swap3A_16], %broadcast_in_dim3A_15 {strides = array<i32>} : memref<128xf32, #tpu.memory_space<vmem>>, vector<16xf32>,
    %broadcast_in_dim3A_18 = arith.constant 1.000000e+00 : f32
    %broadcast_in_dim3A_19 = vector.broadcast %broadcast_in_dim3A_18 : f32 to vector<16xf32>
    %swap3A_20 = arith.constant 80 : index
    %swap3A_21 = tpu.vector_load %arg5[%swap3A_20] {strides = array<i32>} : memref<128xf32, #tpu.memory_space<vmem>>, vector<16xf32>,
    tpu.vector_store %arg5[%swap3A_20], %broadcast_in_dim3A_19 {strides = array<i32>} : memref<128xf32, #tpu.memory_space<vmem>>, vector<16xf32>,
    %broadcast_in_dim3A_22 = arith.constant 1.000000e+00 : f32
    %broadcast_in_dim3A_23 = vector.broadcast %broadcast_in_dim3A_22 : f32 to vector<16xf32>
    %swap3A_24 = arith.constant 96 : index
    %swap3A_25 = tpu.vector_load %arg5[%swap3A_24] {strides = array<i32>} : memref<128xf32, #tpu.memory_space<vmem>>, vector<16xf32>,
    tpu.vector_store %arg5[%swap3A_24], %broadcast_in_dim3A_23 {strides = array<i32>} : memref<128xf32, #tpu.memory_space<vmem>>, vector<16xf32>,
    %broadcast_in_dim3A_26 = arith.constant 1.000000e+00 : f32
    %broadcast_in_dim3A_27 = vector.broadcast %broadcast_in_dim3A_26 : f32 to vector<16xf32>
    %swap3A_28 = arith.constant 112 : index
    %swap3A_29 = tpu.vector_load %arg5[%swap3A_28] {strides = array<i32>} : memref<128xf32, #tpu.memory_space<vmem>>, vector<16xf32>,
    tpu.vector_store %arg5[%swap3A_28], %broadcast_in_dim3A_27 {strides = array<i32>} : memref<128xf32, #tpu.memory_space<vmem>>, vector<16xf32>,
    %scan3A = arith.constant 0 : i32
    %scan3A_30 = arith.constant 0 : i32
    %scan3A_31 = arith.constant 400 : i32
    %scan3A_32 = arith.addi %scan3A_30, %scan3A_31 : i32
    %scan3A_33 = arith.constant 1 : i32
    %scan3A_34 = scf.for %scan3A_53 = %scan3A_30 to %scan3A_32 step %scan3A_33 iter_args(%scan3A_54 = %scan3A) -> (i32)  : i32 {
      %broadcast_in_dim3A_55 = arith.constant 0.000000e+00 : f32
      %broadcast_in_dim3A_56 = vector.broadcast %broadcast_in_dim3A_55 : f32 to vector<16xf32>
      %mul3A_57 = arith.constant 16 : i32
      %mul3A_58 = arith.muli %scan3A_53, %mul3A_57 : i32
      %swap3A_59 = arith.index_cast %mul3A_58 : i32 to index
      %swap3A_60 = tpu.vector_load %arg6[%swap3A_59] {strides = array<i32>} : memref<6400xf32, #tpu.memory_space<vmem>>, vector<16xf32>,
      tpu.vector_store %arg6[%swap3A_59], %broadcast_in_dim3A_56 {strides = array<i32>} : memref<6400xf32, #tpu.memory_space<vmem>>, vector<16xf32>,
      %scan3A_61 = arith.constant 0 : i32
      scf.yield %scan3A_61 : i32
    }
    %scan3A_35 = arith.constant 400 : i32
    %mul3A = arith.constant 6400 : i32
    %mul3A_36 = arith.muli %arg1, %mul3A : i32
    "tpu.region"() ({
      %run_scoped3A = tpu.sem_alloc : memref<!tpu.dma_semaphore, #tpu.memory_space<semaphore_mem>>
      %dma_start3A = tpu.memref_slice %arg7[%mul3A_36] : memref<102400xf32, #tpu.memory_space<vmem_shared>> -> memref<6400xf32, #tpu.memory_space<vmem_shared>>
      %dma_start3A_53 = tpu.memref_slice %arg7[%mul3A_36] : memref<102400xf32, #tpu.memory_space<vmem_shared>> -> memref<6400xf32, #tpu.memory_space<vmem_shared>>
      tpu.enqueue_dma source(%arg6 : memref<6400xf32, #tpu.memory_space<vmem>>) target(%dma_start3A_53 : memref<6400xf32, #tpu.memory_space<vmem_shared>>) target_semaphore(%run_scoped3A : memref<!tpu.dma_semaphore, #tpu.memory_space<semaphore_mem>>)
      %dma_wait3A = tpu.memref_slice %arg7[%mul3A_36] : memref<102400xf32, #tpu.memory_space<vmem_shared>> -> memref<6400xf32, #tpu.memory_space<vmem_shared>>
      %dma_wait3A_54 = tpu.memref_slice %arg7[%mul3A_36] : memref<102400xf32, #tpu.memory_space<vmem_shared>> -> memref<6400xf32, #tpu.memory_space<vmem_shared>>
      tpu.wait_dma2 semaphore(%run_scoped3A : memref<!tpu.dma_semaphore, #tpu.memory_space<semaphore_mem>>) src(%arg6 : memref<6400xf32, #tpu.memory_space<vmem>>) dst(%dma_wait3A_54 : memref<6400xf32, #tpu.memory_space<vmem_shared>>)
      tpu.yield
    }) : () -> ()
    %barrier3A = arith.constant 0 : index
    tpu.barrier barrier_id(%barrier3A)
    %mul3A_37 = arith.constant 819200 : i32
    %mul3A_38 = arith.muli %arg0, %mul3A_37 : i32
    %mul3A_39 = arith.constant 51200 : i32
    %mul3A_40 = arith.muli %arg1, %mul3A_39 : i32
    %add3A = arith.addi %mul3A_38, %mul3A_40 : i32
    %scan3A_41 = arith.constant 0 : i32
    %scan3A_42 = arith.constant 0 : i32
    %scan3A_43 = arith.constant 400 : i32
    %scan3A_44 = arith.addi %scan3A_42, %scan3A_43 : i32
    %scan3A_45 = arith.constant 1 : i32
    %scan3A_46 = scf.for %scan3A_53 = %scan3A_42 to %scan3A_44 step %scan3A_45 iter_args(%scan3A_54 = %scan3A_41) -> (i32)  : i32 {
      %mul3A_55 = arith.constant 128 : i32
      %mul3A_56 = arith.muli %scan3A_53, %mul3A_55 : i32
      %add3A_57 = arith.addi %add3A, %mul3A_56 : i32
      "tpu.region"() ({
        %run_scoped3A = tpu.sem_alloc : memref<!tpu.dma_semaphore, #tpu.memory_space<semaphore_mem>>
        %dma_start3A = tpu.memref_slice %arg2[%add3A_57] : memref<1638400xi32, #tpu.memory_space<hbm>> -> memref<128xi32, #tpu.memory_space<hbm>>
        %dma_start3A_59 = tpu.memref_slice %arg2[%add3A_57] : memref<1638400xi32, #tpu.memory_space<hbm>> -> memref<128xi32, #tpu.memory_space<hbm>>
        tpu.enqueue_dma source(%dma_start3A_59 : memref<128xi32, #tpu.memory_space<hbm>>) target(%arg4 : memref<128xi32, #tpu.memory_space<vmem>>) target_semaphore(%run_scoped3A : memref<!tpu.dma_semaphore, #tpu.memory_space<semaphore_mem>>)
        %dma_wait3A = tpu.memref_slice %arg2[%add3A_57] : memref<1638400xi32, #tpu.memory_space<hbm>> -> memref<128xi32, #tpu.memory_space<hbm>>
        %dma_wait3A_60 = tpu.memref_slice %arg2[%add3A_57] : memref<1638400xi32, #tpu.memory_space<hbm>> -> memref<128xi32, #tpu.memory_space<hbm>>
        tpu.wait_dma2 semaphore(%run_scoped3A : memref<!tpu.dma_semaphore, #tpu.memory_space<semaphore_mem>>) src(%dma_wait3A_60 : memref<128xi32, #tpu.memory_space<hbm>>) dst(%arg4 : memref<128xi32, #tpu.memory_space<vmem>>)
        tpu.yield
      }) : () -> ()
      "tpu.region"() ({
        %run_scoped3A = tpu.sem_alloc : memref<!tpu.dma_semaphore, #tpu.memory_space<semaphore_mem>>
        %dma_start3A = arith.constant 0 : i32
        %dma_start3A_59 = tpu.memref_slice %arg7[%dma_start3A] : memref<102400xf32, #tpu.memory_space<vmem_shared>> -> memref<102400xf32, #tpu.memory_space<vmem_shared>>
        tpu.enqueue_indirect_dma source(%arg5 : memref<128xf32, #tpu.memory_space<vmem>>) target(%dma_start3A_59 : memref<102400xf32, #tpu.memory_space<vmem_shared>>) offsets(%arg4 : memref<128xi32, #tpu.memory_space<vmem>>) semaphore(%run_scoped3A : memref<!tpu.dma_semaphore, #tpu.memory_space<semaphore_mem>>) {add = true}
        %dma_wait3A = arith.constant 0 : i32
        %dma_wait3A_60 = tpu.memref_slice %arg7[%dma_wait3A] : memref<102400xf32, #tpu.memory_space<vmem_shared>> -> memref<102400xf32, #tpu.memory_space<vmem_shared>>
        tpu.wait_indirect_dma semaphore(%run_scoped3A : memref<!tpu.dma_semaphore, #tpu.memory_space<semaphore_mem>>) src(%arg5 : memref<128xf32, #tpu.memory_space<vmem>>) dst(%dma_wait3A_60 : memref<102400xf32, #tpu.memory_space<vmem_shared>>)
        tpu.yield
      }) : () -> ()
      %scan3A_58 = arith.constant 0 : i32
      scf.yield %scan3A_58 : i32
    }
    %scan3A_47 = arith.constant 400 : i32
    %barrier3A_48 = arith.constant 0 : index
    tpu.barrier barrier_id(%barrier3A_48)
    %mul3A_49 = arith.constant 6400 : i32
    %mul3A_50 = arith.muli %arg1, %mul3A_49 : i32
    %mul3A_51 = arith.constant 6400 : i32
    %mul3A_52 = arith.muli %arg1, %mul3A_51 : i32
    "tpu.region"() ({
      %run_scoped3A = tpu.sem_alloc : memref<!tpu.dma_semaphore, #tpu.memory_space<semaphore_mem>>
      %dma_start3A = tpu.memref_slice %arg3[%arg0, %mul3A_52] : memref<2x102400xf32, #tpu.memory_space<hbm>> -> memref<1x6400xf32, #tpu.memory_space<hbm>>
      %dma_start3A_53 = tpu.memref_squeeze %dma_start3A : memref<1x6400xf32, #tpu.memory_space<hbm>> -> memref<6400xf32, #tpu.memory_space<hbm>>
      %dma_start3A_54 = tpu.memref_slice %arg7[%mul3A_50] : memref<102400xf32, #tpu.memory_space<vmem_shared>> -> memref<6400xf32, #tpu.memory_space<vmem_shared>>
      tpu.enqueue_dma source(%dma_start3A_54 : memref<6400xf32, #tpu.memory_space<vmem_shared>>) target(%dma_start3A_53 : memref<6400xf32, #tpu.memory_space<hbm>>) target_semaphore(%run_scoped3A : memref<!tpu.dma_semaphore, #tpu.memory_space<semaphore_mem>>)
      %dma_wait3A = tpu.memref_slice %arg3[%arg0, %mul3A_52] : memref<2x102400xf32, #tpu.memory_space<hbm>> -> memref<1x6400xf32, #tpu.memory_space<hbm>>
      %dma_wait3A_55 = tpu.memref_squeeze %dma_wait3A : memref<1x6400xf32, #tpu.memory_space<hbm>> -> memref<6400xf32, #tpu.memory_space<hbm>>
      %dma_wait3A_56 = tpu.memref_slice %arg7[%mul3A_50] : memref<102400xf32, #tpu.memory_space<vmem_shared>> -> memref<6400xf32, #tpu.memory_space<vmem_shared>>
      tpu.wait_dma2 semaphore(%run_scoped3A : memref<!tpu.dma_semaphore, #tpu.memory_space<semaphore_mem>>) src(%dma_wait3A_56 : memref<6400xf32, #tpu.memory_space<vmem_shared>>) dst(%dma_wait3A_55 : memref<6400xf32, #tpu.memory_space<hbm>>)
      tpu.yield
    }) : () -> ()
    return
  }
}

#map = affine_map<(d0, d1) -> (0)>
#map1 = affine_map<(d0, d1) -> (0, 0)>
module attributes {stable_mosaic.version = 14 : i64} {
  func.func @_agg_body(%arg0: i32, %arg1: i32, %arg2: memref<1638400xi32, #tpu.memory_space<hbm>>, %arg3: memref<1638400xi32, #tpu.memory_space<hbm>>, %arg4: memref<307200x128xf32, #tpu.memory_space<hbm>>, %arg5: memref<307200x128xf32, #tpu.memory_space<hbm>>, %arg6: memref<4096xi32, #tpu.memory_space<vmem>>, %arg7: memref<4096xi32, #tpu.memory_space<vmem>>, %arg8: memref<4224xi32, #tpu.memory_space<vmem>>, %arg9: memref<4224xi32, #tpu.memory_space<vmem>>, %arg10: memref<192xi32, #tpu.memory_space<vmem>>, %arg11: memref<192xi32, #tpu.memory_space<vmem>>, %arg12: memref<192xi32, #tpu.memory_space<vmem>>, %arg13: memref<192x128xf32, #tpu.memory_space<vmem>>, %arg14: memref<192x128xf32, #tpu.memory_space<vmem>>, %arg15: memref<!tpu.dma_semaphore, #tpu.memory_space<semaphore_mem>>, %arg16: memref<!tpu.dma_semaphore, #tpu.memory_space<semaphore_mem>>, %arg17: memref<16x128xf32, #tpu.memory_space<vmem>>, %arg18: memref<7704x128xf32, #tpu.memory_space<vmem_shared>>) attributes {dimension_semantics = [#tpu.dimension_semantics<core_parallel>, #tpu.dimension_semantics<subcore_parallel>], iteration_bounds = array<i64: 2, 16>, scalar_prefetch = 0 : i64, scratch_operands = 13 : i64, tpu.core_type = #tpu.core_type<sc_vector_subcore>, window_params = [{transform_indices = #map}, {transform_indices = #map}, {transform_indices = #map1}, {transform_indices = #map1}]} {
    %mul3A = arith.constant 102400 : i32
    %mul3A_0 = arith.muli %arg1, %mul3A : i32
    %scan3A = arith.constant 0 : i32
    %scan3A_1 = arith.constant 0 : i32
    %scan3A_2 = arith.constant 128 : i32
    %scan3A_3 = arith.addi %scan3A_1, %scan3A_2 : i32
    %scan3A_4 = arith.constant 1 : i32
    %scan3A_5 = scf.for %scan3A_14 = %scan3A_1 to %scan3A_3 step %scan3A_4 iter_args(%scan3A_15 = %scan3A) -> (i32)  : i32 {
      %jit3A = arith.constant 8 : i32
      %div3A = arith.divsi %scan3A_14, %jit3A : i32
      %sign3A = arith.constant 0 : i32
      %sign3A_16 = arith.cmpi sgt, %scan3A_14, %sign3A : i32
      %sign3A_17 = arith.extui %sign3A_16 : i1 to i32
      %sign3A_18 = arith.constant 0 : i32
      %sign3A_19 = arith.cmpi slt, %scan3A_14, %sign3A_18 : i32
      %sign3A_20 = arith.extui %sign3A_19 : i1 to i32
      %sign3A_21 = arith.subi %sign3A_17, %sign3A_20 : i32
      %sign3A_22 = arith.constant 0 : i32
      %sign3A_23 = arith.cmpi sgt, %jit3A, %sign3A_22 : i32
      %sign3A_24 = arith.extui %sign3A_23 : i1 to i32
      %sign3A_25 = arith.constant 0 : i32
      %sign3A_26 = arith.cmpi slt, %jit3A, %sign3A_25 : i32
      %sign3A_27 = arith.extui %sign3A_26 : i1 to i32
      %sign3A_28 = arith.subi %sign3A_24, %sign3A_27 : i32
      %ne3A = arith.cmpi ne, %sign3A_21, %sign3A_28 : i32
      %rem3A = arith.remsi %scan3A_14, %jit3A : i32
      %ne3A_29 = arith.constant 0 : i32
      %ne3A_30 = arith.cmpi ne, %rem3A, %ne3A_29 : i32
      %and3A = arith.andi %ne3A, %ne3A_30 : i1
      %sub3A = arith.constant 1 : i32
      %sub3A_31 = arith.subi %div3A, %sub3A : i32
      %select_n3A = arith.select %and3A, %sub3A_31, %div3A : i32
      %jit3A_32 = arith.constant 8 : i32
      %eq3A = arith.constant 0 : i32
      %eq3A_33 = arith.cmpi eq, %jit3A_32, %eq3A : i32
      %jit3A_34 = arith.constant 1 : i32
      %select_n3A_35 = arith.select %eq3A_33, %jit3A_34, %jit3A_32 : i32
      %rem3A_36 = arith.remsi %scan3A_14, %select_n3A_35 : i32
      %ne3A_37 = arith.constant 0 : i32
      %ne3A_38 = arith.cmpi ne, %rem3A_36, %ne3A_37 : i32
      %lt3A = arith.constant 0 : i32
      %lt3A_39 = arith.cmpi slt, %rem3A_36, %lt3A : i32
      %lt3A_40 = arith.constant 0 : i32
      %lt3A_41 = arith.cmpi slt, %select_n3A_35, %lt3A_40 : i32
      %ne3A_42 = arith.xori %lt3A_39, %lt3A_41 : i1
      %and3A_43 = arith.andi %ne3A_42, %ne3A_38 : i1
      %add3A = arith.addi %rem3A_36, %select_n3A_35 : i32
      %select_n3A_44 = arith.select %and3A_43, %add3A, %rem3A_36 : i32
      %broadcast_in_dim3A = arith.constant 0.000000e+00 : f32
      %broadcast_in_dim3A_45 = vector.broadcast %broadcast_in_dim3A : f32 to vector<16xf32>
      %mul3A_46 = arith.constant 16 : i32
      %mul3A_47 = arith.muli %select_n3A_44, %mul3A_46 : i32
      %swap3A = arith.index_cast %select_n3A : i32 to index
      %swap3A_48 = arith.index_cast %mul3A_47 : i32 to index
      %swap3A_49 = tpu.vector_load %arg17[%swap3A, %swap3A_48] {strides = array<i32>} : memref<16x128xf32, #tpu.memory_space<vmem>>, vector<16xf32>,
      tpu.vector_store %arg17[%swap3A, %swap3A_48], %broadcast_in_dim3A_45 {strides = array<i32>} : memref<16x128xf32, #tpu.memory_space<vmem>>, vector<16xf32>,
      %scan3A_50 = arith.constant 0 : i32
      scf.yield %scan3A_50 : i32
    }
    %scan3A_6 = arith.constant 128 : i32
    %scan3A_7 = arith.constant 0 : i32
    %scan3A_8 = arith.constant 0 : i32
    %scan3A_9 = arith.constant 20 : i32
    %scan3A_10 = arith.addi %scan3A_8, %scan3A_9 : i32
    %scan3A_11 = arith.constant 1 : i32
    %scan3A_12 = scf.for %scan3A_14 = %scan3A_8 to %scan3A_10 step %scan3A_11 iter_args(%scan3A_15 = %scan3A_7) -> (i32)  : i32 {
      %mul3A_16 = arith.constant 2 : i32
      %mul3A_17 = arith.muli %mul3A_16, %scan3A_14 : i32
      %add3A = arith.addi %arg0, %mul3A_17 : i32
      %mul3A_18 = arith.constant 2560 : i32
      %mul3A_19 = arith.muli %add3A, %mul3A_18 : i32
      %scan3A_20 = arith.constant 0 : i32
      %scan3A_21 = arith.constant 0 : i32
      %scan3A_22 = arith.constant 30 : i32
      %scan3A_23 = arith.addi %scan3A_21, %scan3A_22 : i32
      %scan3A_24 = arith.constant 1 : i32
      %scan3A_25 = scf.for %scan3A_128 = %scan3A_21 to %scan3A_23 step %scan3A_24 iter_args(%scan3A_129 = %scan3A_20) -> (i32)  : i32 {
        %mul3A_130 = arith.constant 480 : i32
        %mul3A_131 = arith.muli %arg1, %mul3A_130 : i32
        %mul3A_132 = arith.constant 16 : i32
        %mul3A_133 = arith.muli %scan3A_128, %mul3A_132 : i32
        %add3A_134 = arith.addi %mul3A_131, %mul3A_133 : i32
        "tpu.region"() ({
          %run_scoped3A = tpu.sem_alloc : memref<!tpu.dma_semaphore, #tpu.memory_space<semaphore_mem>>
          %dma_start3A = arith.constant 0 : i32
          %dma_start3A_136 = tpu.memref_slice %arg18[%add3A_134, %dma_start3A] : memref<7704x128xf32, #tpu.memory_space<vmem_shared>> -> memref<16x128xf32, #tpu.memory_space<vmem_shared>>
          %dma_start3A_137 = arith.constant 0 : i32
          %dma_start3A_138 = tpu.memref_slice %arg18[%add3A_134, %dma_start3A_137] : memref<7704x128xf32, #tpu.memory_space<vmem_shared>> -> memref<16x128xf32, #tpu.memory_space<vmem_shared>>
          tpu.enqueue_dma source(%arg17 : memref<16x128xf32, #tpu.memory_space<vmem>>) target(%dma_start3A_138 : memref<16x128xf32, #tpu.memory_space<vmem_shared>>) target_semaphore(%run_scoped3A : memref<!tpu.dma_semaphore, #tpu.memory_space<semaphore_mem>>)
          %dma_wait3A = arith.constant 0 : i32
          %dma_wait3A_139 = tpu.memref_slice %arg18[%add3A_134, %dma_wait3A] : memref<7704x128xf32, #tpu.memory_space<vmem_shared>> -> memref<16x128xf32, #tpu.memory_space<vmem_shared>>
          %dma_wait3A_140 = arith.constant 0 : i32
          %dma_wait3A_141 = tpu.memref_slice %arg18[%add3A_134, %dma_wait3A_140] : memref<7704x128xf32, #tpu.memory_space<vmem_shared>> -> memref<16x128xf32, #tpu.memory_space<vmem_shared>>
          tpu.wait_dma2 semaphore(%run_scoped3A : memref<!tpu.dma_semaphore, #tpu.memory_space<semaphore_mem>>) src(%arg17 : memref<16x128xf32, #tpu.memory_space<vmem>>) dst(%dma_wait3A_141 : memref<16x128xf32, #tpu.memory_space<vmem_shared>>)
          tpu.yield
        }) : () -> ()
        %scan3A_135 = arith.constant 0 : i32
        scf.yield %scan3A_135 : i32
      }
      %scan3A_26 = arith.constant 30 : i32
      %barrier3A = arith.constant 0 : index
      tpu.barrier barrier_id(%barrier3A)
      %scan3A_27 = arith.constant 0 : i32
      %scan3A_28 = arith.constant 0 : i32
      %scan3A_29 = arith.constant 25 : i32
      %scan3A_30 = arith.addi %scan3A_28, %scan3A_29 : i32
      %scan3A_31 = arith.constant 1 : i32
      %scan3A_32 = scf.for %scan3A_128 = %scan3A_28 to %scan3A_30 step %scan3A_31 iter_args(%scan3A_129 = %scan3A_27) -> (i32)  : i32 {
        %mul3A_130 = arith.constant 4096 : i32
        %mul3A_131 = arith.muli %scan3A_128, %mul3A_130 : i32
        %add3A_132 = arith.addi %mul3A_0, %mul3A_131 : i32
        "tpu.region"() ({
          %run_scoped3A = tpu.sem_alloc : memref<!tpu.dma_semaphore, #tpu.memory_space<semaphore_mem>>
          %dma_start3A = tpu.memref_slice %arg2[%add3A_132] : memref<1638400xi32, #tpu.memory_space<hbm>> -> memref<4096xi32, #tpu.memory_space<hbm>>
          %dma_start3A_221 = tpu.memref_slice %arg2[%add3A_132] : memref<1638400xi32, #tpu.memory_space<hbm>> -> memref<4096xi32, #tpu.memory_space<hbm>>
          tpu.enqueue_dma source(%dma_start3A_221 : memref<4096xi32, #tpu.memory_space<hbm>>) target(%arg6 : memref<4096xi32, #tpu.memory_space<vmem>>) target_semaphore(%run_scoped3A : memref<!tpu.dma_semaphore, #tpu.memory_space<semaphore_mem>>)
          %dma_wait3A = tpu.memref_slice %arg2[%add3A_132] : memref<1638400xi32, #tpu.memory_space<hbm>> -> memref<4096xi32, #tpu.memory_space<hbm>>
          %dma_wait3A_222 = tpu.memref_slice %arg2[%add3A_132] : memref<1638400xi32, #tpu.memory_space<hbm>> -> memref<4096xi32, #tpu.memory_space<hbm>>
          tpu.wait_dma2 semaphore(%run_scoped3A : memref<!tpu.dma_semaphore, #tpu.memory_space<semaphore_mem>>) src(%dma_wait3A_222 : memref<4096xi32, #tpu.memory_space<hbm>>) dst(%arg6 : memref<4096xi32, #tpu.memory_space<vmem>>)
          tpu.yield
        }) : () -> ()
        "tpu.region"() ({
          %run_scoped3A = tpu.sem_alloc : memref<!tpu.dma_semaphore, #tpu.memory_space<semaphore_mem>>
          %dma_start3A = tpu.memref_slice %arg3[%add3A_132] : memref<1638400xi32, #tpu.memory_space<hbm>> -> memref<4096xi32, #tpu.memory_space<hbm>>
          %dma_start3A_221 = tpu.memref_slice %arg3[%add3A_132] : memref<1638400xi32, #tpu.memory_space<hbm>> -> memref<4096xi32, #tpu.memory_space<hbm>>
          tpu.enqueue_dma source(%dma_start3A_221 : memref<4096xi32, #tpu.memory_space<hbm>>) target(%arg7 : memref<4096xi32, #tpu.memory_space<vmem>>) target_semaphore(%run_scoped3A : memref<!tpu.dma_semaphore, #tpu.memory_space<semaphore_mem>>)
          %dma_wait3A = tpu.memref_slice %arg3[%add3A_132] : memref<1638400xi32, #tpu.memory_space<hbm>> -> memref<4096xi32, #tpu.memory_space<hbm>>
          %dma_wait3A_222 = tpu.memref_slice %arg3[%add3A_132] : memref<1638400xi32, #tpu.memory_space<hbm>> -> memref<4096xi32, #tpu.memory_space<hbm>>
          tpu.wait_dma2 semaphore(%run_scoped3A : memref<!tpu.dma_semaphore, #tpu.memory_space<semaphore_mem>>) src(%dma_wait3A_222 : memref<4096xi32, #tpu.memory_space<hbm>>) dst(%arg7 : memref<4096xi32, #tpu.memory_space<vmem>>)
          tpu.yield
        }) : () -> ()
        %scan3A_133 = arith.constant 0 : i32
        %scan3A_134 = arith.constant 0 : i32
        %scan3A_135 = arith.constant 256 : i32
        %scan3A_136 = arith.addi %scan3A_134, %scan3A_135 : i32
        %scan3A_137 = arith.constant 1 : i32
        %scan3A_138 = scf.for %scan3A_221 = %scan3A_134 to %scan3A_136 step %scan3A_137 iter_args(%scan3A_222 = %scan3A_133) -> (i32)  : i32 {
          %mul3A_223 = arith.constant 16 : i32
          %mul3A_224 = arith.muli %scan3A_221, %mul3A_223 : i32
          %get3A = arith.index_cast %mul3A_224 : i32 to index
          %get3A_225 = tpu.vector_load %arg6[%get3A] {strides = array<i32>} : memref<4096xi32, #tpu.memory_space<vmem>>, vector<16xi32>,
          %mul3A_226 = arith.constant 16 : i32
          %mul3A_227 = arith.muli %scan3A_221, %mul3A_226 : i32
          %get3A_228 = arith.index_cast %mul3A_227 : i32 to index
          %get3A_229 = tpu.vector_load %arg7[%get3A_228] {strides = array<i32>} : memref<4096xi32, #tpu.memory_space<vmem>>, vector<16xi32>,
          %sub3A_230 = vector.broadcast %mul3A_19 : i32 to vector<16xi32>
          %sub3A_231 = arith.subi %get3A_229, %sub3A_230 : vector<16xi32>
          %ge3A_232 = arith.constant 0 : i32
          %ge3A_233 = vector.broadcast %ge3A_232 : i32 to vector<16xi32>
          %ge3A_234 = arith.cmpi sge, %sub3A_231, %ge3A_233 : vector<16xi32>
          %lt3A_235 = arith.constant 2560 : i32
          %lt3A_236 = vector.broadcast %lt3A_235 : i32 to vector<16xi32>
          %lt3A_237 = arith.cmpi slt, %sub3A_231, %lt3A_236 : vector<16xi32>
          %and3A_238 = arith.andi %ge3A_234, %lt3A_237 : vector<16xi1>
          %convert_element_type3A_239 = arith.extui %and3A_238 : vector<16xi1> to vector<16xi32>
          %broadcast_in_dim3A_240 = arith.constant true
          %broadcast_in_dim3A_241 = vector.broadcast %broadcast_in_dim3A_240 : i1 to vector<16xi1>
          %masked_cumsum3A = tpu.scan <sum>, %convert_element_type3A_239 masked %broadcast_in_dim3A_241 : vector<16xi32>, vector<16xi1> -> vector<16xi32>
          %add3A_242 = vector.broadcast %scan3A_222 : i32 to vector<16xi32>
          %add3A_243 = arith.addi %add3A_242, %masked_cumsum3A : vector<16xi32>
          %sub3A_244 = arith.constant 1 : i32
          %sub3A_245 = vector.broadcast %sub3A_244 : i32 to vector<16xi32>
          %sub3A_246 = arith.subi %add3A_243, %sub3A_245 : vector<16xi32>
          %max3A = arith.constant 0 : i32
          %max3A_247 = vector.broadcast %max3A : i32 to vector<16xi32>
          %max3A_248 = arith.maxsi %sub3A_246, %max3A_247 : vector<16xi32>
          tpu.vector_store_idx %arg8[%max3A_248], %get3A_225 masked %and3A_238 : memref<4224xi32, #tpu.memory_space<vmem>>[vector<16xi32>], vector<16xi32>, vector<16xi1>
          tpu.vector_store_idx %arg9[%max3A_248], %sub3A_231 masked %and3A_238 : memref<4224xi32, #tpu.memory_space<vmem>>[vector<16xi32>], vector<16xi32>, vector<16xi1>
          %slice3A = vector.extract_strided_slice %masked_cumsum3A {offsets = [15], sizes = [1], strides = [1]} : vector<16xi32> to vector<1xi32>
          %squeeze3A = vector.extract %slice3A[0] : i32 from vector<1xi32>
          %add3A_249 = arith.addi %scan3A_222, %squeeze3A : i32
          scf.yield %add3A_249 : i32
        }
        %scan3A_139 = arith.constant 256 : i32
        %broadcast_in_dim3A = arith.constant 0 : i32
        %broadcast_in_dim3A_140 = vector.broadcast %broadcast_in_dim3A : i32 to vector<16xi32>
        %add3A_141 = arith.constant 0 : i32
        %add3A_142 = arith.addi %scan3A_138, %add3A_141 : i32
        %swap3A = arith.index_cast %add3A_142 : i32 to index
        %swap3A_143 = tpu.vector_load %arg8[%swap3A] {strides = array<i32>} : memref<4224xi32, #tpu.memory_space<vmem>>, vector<16xi32>,
        tpu.vector_store %arg8[%swap3A], %broadcast_in_dim3A_140 {strides = array<i32>} : memref<4224xi32, #tpu.memory_space<vmem>>, vector<16xi32>,
        %broadcast_in_dim3A_144 = arith.constant 2560 : i32
        %broadcast_in_dim3A_145 = vector.broadcast %broadcast_in_dim3A_144 : i32 to vector<16xi32>
        %add3A_146 = arith.constant 0 : i32
        %add3A_147 = arith.addi %scan3A_138, %add3A_146 : i32
        %swap3A_148 = arith.index_cast %add3A_147 : i32 to index
        %swap3A_149 = tpu.vector_load %arg9[%swap3A_148] {strides = array<i32>} : memref<4224xi32, #tpu.memory_space<vmem>>, vector<16xi32>,
        tpu.vector_store %arg9[%swap3A_148], %broadcast_in_dim3A_145 {strides = array<i32>} : memref<4224xi32, #tpu.memory_space<vmem>>, vector<16xi32>,
        %broadcast_in_dim3A_150 = arith.constant 0 : i32
        %broadcast_in_dim3A_151 = vector.broadcast %broadcast_in_dim3A_150 : i32 to vector<16xi32>
        %add3A_152 = arith.constant 16 : i32
        %add3A_153 = arith.addi %scan3A_138, %add3A_152 : i32
        %swap3A_154 = arith.index_cast %add3A_153 : i32 to index
        %swap3A_155 = tpu.vector_load %arg8[%swap3A_154] {strides = array<i32>} : memref<4224xi32, #tpu.memory_space<vmem>>, vector<16xi32>,
        tpu.vector_store %arg8[%swap3A_154], %broadcast_in_dim3A_151 {strides = array<i32>} : memref<4224xi32, #tpu.memory_space<vmem>>, vector<16xi32>,
        %broadcast_in_dim3A_156 = arith.constant 2560 : i32
        %broadcast_in_dim3A_157 = vector.broadcast %broadcast_in_dim3A_156 : i32 to vector<16xi32>
        %add3A_158 = arith.constant 16 : i32
        %add3A_159 = arith.addi %scan3A_138, %add3A_158 : i32
        %swap3A_160 = arith.index_cast %add3A_159 : i32 to index
        %swap3A_161 = tpu.vector_load %arg9[%swap3A_160] {strides = array<i32>} : memref<4224xi32, #tpu.memory_space<vmem>>, vector<16xi32>,
        tpu.vector_store %arg9[%swap3A_160], %broadcast_in_dim3A_157 {strides = array<i32>} : memref<4224xi32, #tpu.memory_space<vmem>>, vector<16xi32>,
        %broadcast_in_dim3A_162 = arith.constant 0 : i32
        %broadcast_in_dim3A_163 = vector.broadcast %broadcast_in_dim3A_162 : i32 to vector<16xi32>
        %add3A_164 = arith.constant 32 : i32
        %add3A_165 = arith.addi %scan3A_138, %add3A_164 : i32
        %swap3A_166 = arith.index_cast %add3A_165 : i32 to index
        %swap3A_167 = tpu.vector_load %arg8[%swap3A_166] {strides = array<i32>} : memref<4224xi32, #tpu.memory_space<vmem>>, vector<16xi32>,
        tpu.vector_store %arg8[%swap3A_166], %broadcast_in_dim3A_163 {strides = array<i32>} : memref<4224xi32, #tpu.memory_space<vmem>>, vector<16xi32>,
        %broadcast_in_dim3A_168 = arith.constant 2560 : i32
        %broadcast_in_dim3A_169 = vector.broadcast %broadcast_in_dim3A_168 : i32 to vector<16xi32>
        %add3A_170 = arith.constant 32 : i32
        %add3A_171 = arith.addi %scan3A_138, %add3A_170 : i32
        %swap3A_172 = arith.index_cast %add3A_171 : i32 to index
        %swap3A_173 = tpu.vector_load %arg9[%swap3A_172] {strides = array<i32>} : memref<4224xi32, #tpu.memory_space<vmem>>, vector<16xi32>,
        tpu.vector_store %arg9[%swap3A_172], %broadcast_in_dim3A_169 {strides = array<i32>} : memref<4224xi32, #tpu.memory_space<vmem>>, vector<16xi32>,
        %broadcast_in_dim3A_174 = arith.constant 0 : i32
        %broadcast_in_dim3A_175 = vector.broadcast %broadcast_in_dim3A_174 : i32 to vector<16xi32>
        %add3A_176 = arith.constant 48 : i32
        %add3A_177 = arith.addi %scan3A_138, %add3A_176 : i32
        %swap3A_178 = arith.index_cast %add3A_177 : i32 to index
        %swap3A_179 = tpu.vector_load %arg8[%swap3A_178] {strides = array<i32>} : memref<4224xi32, #tpu.memory_space<vmem>>, vector<16xi32>,
        tpu.vector_store %arg8[%swap3A_178], %broadcast_in_dim3A_175 {strides = array<i32>} : memref<4224xi32, #tpu.memory_space<vmem>>, vector<16xi32>,
        %broadcast_in_dim3A_180 = arith.constant 2560 : i32
        %broadcast_in_dim3A_181 = vector.broadcast %broadcast_in_dim3A_180 : i32 to vector<16xi32>
        %add3A_182 = arith.constant 48 : i32
        %add3A_183 = arith.addi %scan3A_138, %add3A_182 : i32
        %swap3A_184 = arith.index_cast %add3A_183 : i32 to index
        %swap3A_185 = tpu.vector_load %arg9[%swap3A_184] {strides = array<i32>} : memref<4224xi32, #tpu.memory_space<vmem>>, vector<16xi32>,
        tpu.vector_store %arg9[%swap3A_184], %broadcast_in_dim3A_181 {strides = array<i32>} : memref<4224xi32, #tpu.memory_space<vmem>>, vector<16xi32>,
        %add3A_186 = arith.constant 64 : i32
        %add3A_187 = arith.addi %scan3A_138, %add3A_186 : i32
        %sub3A = arith.constant 1 : i32
        %sub3A_188 = arith.subi %add3A_187, %sub3A : i32
        %jit3A_189 = arith.constant 64 : i32
        %div3A = arith.divsi %sub3A_188, %jit3A_189 : i32
        %sign3A = arith.constant 0 : i32
        %sign3A_190 = arith.cmpi sgt, %sub3A_188, %sign3A : i32
        %sign3A_191 = arith.extui %sign3A_190 : i1 to i32
        %sign3A_192 = arith.constant 0 : i32
        %sign3A_193 = arith.cmpi slt, %sub3A_188, %sign3A_192 : i32
        %sign3A_194 = arith.extui %sign3A_193 : i1 to i32
        %sign3A_195 = arith.subi %sign3A_191, %sign3A_194 : i32
        %sign3A_196 = arith.constant 0 : i32
        %sign3A_197 = arith.cmpi sgt, %jit3A_189, %sign3A_196 : i32
        %sign3A_198 = arith.extui %sign3A_197 : i1 to i32
        %sign3A_199 = arith.constant 0 : i32
        %sign3A_200 = arith.cmpi slt, %jit3A_189, %sign3A_199 : i32
        %sign3A_201 = arith.extui %sign3A_200 : i1 to i32
        %sign3A_202 = arith.subi %sign3A_198, %sign3A_201 : i32
        %ne3A_203 = arith.cmpi ne, %sign3A_195, %sign3A_202 : i32
        %rem3A_204 = arith.remsi %sub3A_188, %jit3A_189 : i32
        %ne3A_205 = arith.constant 0 : i32
        %ne3A_206 = arith.cmpi ne, %rem3A_204, %ne3A_205 : i32
        %and3A_207 = arith.andi %ne3A_203, %ne3A_206 : i1
        %sub3A_208 = arith.constant 1 : i32
        %sub3A_209 = arith.subi %div3A, %sub3A_208 : i32
        %select_n3A_210 = arith.select %and3A_207, %sub3A_209, %div3A : i32
        %while3A = arith.constant 0 : i32
        %while3A_211 = arith.subi %select_n3A_210, %while3A : i32
        %while3A_212 = arith.addi %while3A, %while3A_211 : i32
        %while3A_213 = arith.constant 1 : i32
        %while3A_214 = arith.divsi %while3A_211, %while3A_213 : i32
        %while3A_215 = arith.muli %while3A_214, %while3A_213 : i32
        %while3A_216 = arith.addi %while3A, %while3A_215 : i32
        %while3A_217 = arith.constant 1 : i32
        %while3A_218 = scf.for %while3A_221 = %while3A to %while3A_216 step %while3A_217 iter_args(%while3A_222 = %scan3A_129) -> (i32)  : i32 {
          %mul3A_223 = arith.constant 64 : i32
          %mul3A_224 = arith.muli %while3A_221, %mul3A_223 : i32
          %jit3A_225 = arith.constant 2 : i32
          %eq3A_226 = arith.constant 0 : i32
          %eq3A_227 = arith.cmpi eq, %jit3A_225, %eq3A_226 : i32
          %jit3A_228 = arith.constant 1 : i32
          %select_n3A_229 = arith.select %eq3A_227, %jit3A_228, %jit3A_225 : i32
          %rem3A_230 = arith.remsi %while3A_222, %select_n3A_229 : i32
          %ne3A_231 = arith.constant 0 : i32
          %ne3A_232 = arith.cmpi ne, %rem3A_230, %ne3A_231 : i32
          %lt3A_233 = arith.constant 0 : i32
          %lt3A_234 = arith.cmpi slt, %rem3A_230, %lt3A_233 : i32
          %lt3A_235 = arith.constant 0 : i32
          %lt3A_236 = arith.cmpi slt, %select_n3A_229, %lt3A_235 : i32
          %ne3A_237 = arith.xori %lt3A_234, %lt3A_236 : i1
          %and3A_238 = arith.andi %ne3A_237, %ne3A_232 : i1
          %add3A_239 = arith.addi %rem3A_230, %select_n3A_229 : i32
          %select_n3A_240 = arith.select %and3A_238, %add3A_239, %rem3A_230 : i32
          %eq3A_241 = arith.constant 0 : i32
          %eq3A_242 = arith.cmpi eq, %select_n3A_240, %eq3A_241 : i32
          %convert_element_type3A_243 = arith.extui %eq3A_242 : i1 to i32
          %cond3A_244 = arith.constant 0 : i32
          %cond3A_245 = arith.cmpi ne, %convert_element_type3A_243, %cond3A_244 : i32
          scf.if %cond3A_245 {
            %ge3A_269 = arith.constant 2 : i32
            %ge3A_270 = arith.cmpi sge, %while3A_222, %ge3A_269 : i32
            %convert_element_type3A_271 = arith.extui %ge3A_270 : i1 to i32
            %cond3A_272 = arith.constant 0 : i32
            %cond3A_273 = arith.cmpi ne, %convert_element_type3A_271, %cond3A_272 : i32
            scf.if %cond3A_273 {
              %dma_wait3A = arith.constant 0 : i32
              %dma_wait3A_283 = arith.constant 0 : i32
              %dma_wait3A_284 = tpu.memref_slice %arg18[%dma_wait3A, %dma_wait3A_283] : memref<7704x128xf32, #tpu.memory_space<vmem_shared>> -> memref<7704x128xf32, #tpu.memory_space<vmem_shared>>
              tpu.wait_indirect_dma semaphore(%arg15 : memref<!tpu.dma_semaphore, #tpu.memory_space<semaphore_mem>>) src(%arg13 : memref<192x128xf32, #tpu.memory_space<vmem>>) dst(%dma_wait3A_284 : memref<7704x128xf32, #tpu.memory_space<vmem_shared>>)
            } else {
            }
            %scan3A_274 = arith.constant 0 : i32
            %scan3A_275 = arith.constant 0 : i32
            %scan3A_276 = arith.constant 4 : i32
            %scan3A_277 = arith.addi %scan3A_275, %scan3A_276 : i32
            %scan3A_278 = arith.constant 1 : i32
            %scan3A_279 = scf.for %scan3A_283 = %scan3A_275 to %scan3A_277 step %scan3A_278 iter_args(%scan3A_284 = %scan3A_274) -> (i32)  : i32 {
              %mul3A_285 = arith.constant 16 : i32
              %mul3A_286 = arith.muli %scan3A_283, %mul3A_285 : i32
              %add3A_287 = arith.addi %mul3A_224, %mul3A_286 : i32
              %get3A = arith.index_cast %add3A_287 : i32 to index
              %get3A_288 = tpu.vector_load %arg8[%get3A] {strides = array<i32>} : memref<4224xi32, #tpu.memory_space<vmem>>, vector<16xi32>,
              %mul3A_289 = arith.constant 3 : i32
              %mul3A_290 = vector.broadcast %mul3A_289 : i32 to vector<16xi32>
              %mul3A_291 = arith.muli %get3A_288, %mul3A_290 : vector<16xi32>
              %mul3A_292 = arith.constant 16 : i32
              %mul3A_293 = arith.muli %scan3A_283, %mul3A_292 : i32
              %add3A_294 = arith.addi %mul3A_224, %mul3A_293 : i32
              %get3A_295 = arith.index_cast %add3A_294 : i32 to index
              %get3A_296 = tpu.vector_load %arg9[%get3A_295] {strides = array<i32>} : memref<4224xi32, #tpu.memory_space<vmem>>, vector<16xi32>,
              %mul3A_297 = arith.constant 3 : i32
              %mul3A_298 = vector.broadcast %mul3A_297 : i32 to vector<16xi32>
              %mul3A_299 = arith.muli %get3A_296, %mul3A_298 : vector<16xi32>
              %mul3A_300 = arith.constant 16 : i32
              %mul3A_301 = arith.muli %scan3A_283, %mul3A_300 : i32
              %mul3A_302 = arith.constant 3 : i32
              %mul3A_303 = arith.muli %mul3A_301, %mul3A_302 : i32
              %iota3A = tpu.iota {dimensions = array<i32: 0>} : vector<16xi32>
              %mul3A_304 = arith.constant 3 : i32
              %mul3A_305 = vector.broadcast %mul3A_304 : i32 to vector<16xi32>
              %mul3A_306 = arith.muli %iota3A, %mul3A_305 : vector<16xi32>
              %add3A_307 = arith.constant 0 : i32
              %add3A_308 = arith.addi %mul3A_303, %add3A_307 : i32
              %add3A_309 = vector.broadcast %add3A_308 : i32 to vector<16xi32>
              %add3A_310 = arith.addi %mul3A_306, %add3A_309 : vector<16xi32>
              %add3A_311 = arith.constant 0 : i32
              %add3A_312 = vector.broadcast %add3A_311 : i32 to vector<16xi32>
              %add3A_313 = arith.addi %mul3A_291, %add3A_312 : vector<16xi32>
              tpu.vector_store_idx %arg10[%add3A_310], %add3A_313 : memref<192xi32, #tpu.memory_space<vmem>>[vector<16xi32>], vector<16xi32>,
              %add3A_314 = arith.constant 0 : i32
              %add3A_315 = arith.addi %mul3A_303, %add3A_314 : i32
              %add3A_316 = vector.broadcast %add3A_315 : i32 to vector<16xi32>
              %add3A_317 = arith.addi %mul3A_306, %add3A_316 : vector<16xi32>
              %add3A_318 = arith.constant 0 : i32
              %add3A_319 = vector.broadcast %add3A_318 : i32 to vector<16xi32>
              %add3A_320 = arith.addi %mul3A_299, %add3A_319 : vector<16xi32>
              tpu.vector_store_idx %arg11[%add3A_317], %add3A_320 : memref<192xi32, #tpu.memory_space<vmem>>[vector<16xi32>], vector<16xi32>,
              %add3A_321 = arith.constant 1 : i32
              %add3A_322 = arith.addi %mul3A_303, %add3A_321 : i32
              %add3A_323 = vector.broadcast %add3A_322 : i32 to vector<16xi32>
              %add3A_324 = arith.addi %mul3A_306, %add3A_323 : vector<16xi32>
              %add3A_325 = arith.constant 1 : i32
              %add3A_326 = vector.broadcast %add3A_325 : i32 to vector<16xi32>
              %add3A_327 = arith.addi %mul3A_291, %add3A_326 : vector<16xi32>
              tpu.vector_store_idx %arg10[%add3A_324], %add3A_327 : memref<192xi32, #tpu.memory_space<vmem>>[vector<16xi32>], vector<16xi32>,
              %add3A_328 = arith.constant 1 : i32
              %add3A_329 = arith.addi %mul3A_303, %add3A_328 : i32
              %add3A_330 = vector.broadcast %add3A_329 : i32 to vector<16xi32>
              %add3A_331 = arith.addi %mul3A_306, %add3A_330 : vector<16xi32>
              %add3A_332 = arith.constant 1 : i32
              %add3A_333 = vector.broadcast %add3A_332 : i32 to vector<16xi32>
              %add3A_334 = arith.addi %mul3A_299, %add3A_333 : vector<16xi32>
              tpu.vector_store_idx %arg11[%add3A_331], %add3A_334 : memref<192xi32, #tpu.memory_space<vmem>>[vector<16xi32>], vector<16xi32>,
              %add3A_335 = arith.constant 2 : i32
              %add3A_336 = arith.addi %mul3A_303, %add3A_335 : i32
              %add3A_337 = vector.broadcast %add3A_336 : i32 to vector<16xi32>
              %add3A_338 = arith.addi %mul3A_306, %add3A_337 : vector<16xi32>
              %add3A_339 = arith.constant 2 : i32
              %add3A_340 = vector.broadcast %add3A_339 : i32 to vector<16xi32>
              %add3A_341 = arith.addi %mul3A_291, %add3A_340 : vector<16xi32>
              tpu.vector_store_idx %arg10[%add3A_338], %add3A_341 : memref<192xi32, #tpu.memory_space<vmem>>[vector<16xi32>], vector<16xi32>,
              %add3A_342 = arith.constant 2 : i32
              %add3A_343 = arith.addi %mul3A_303, %add3A_342 : i32
              %add3A_344 = vector.broadcast %add3A_343 : i32 to vector<16xi32>
              %add3A_345 = arith.addi %mul3A_306, %add3A_344 : vector<16xi32>
              %add3A_346 = arith.constant 2 : i32
              %add3A_347 = vector.broadcast %add3A_346 : i32 to vector<16xi32>
              %add3A_348 = arith.addi %mul3A_299, %add3A_347 : vector<16xi32>
              tpu.vector_store_idx %arg11[%add3A_345], %add3A_348 : memref<192xi32, #tpu.memory_space<vmem>>[vector<16xi32>], vector<16xi32>,
              %scan3A_349 = arith.constant 0 : i32
              scf.yield %scan3A_349 : i32
            }
            %scan3A_280 = arith.constant 4 : i32
            "tpu.region"() ({
              %run_scoped3A = tpu.sem_alloc : memref<!tpu.dma_semaphore, #tpu.memory_space<semaphore_mem>>
              %dma_start3A_283 = arith.constant 0 : i32
              %dma_start3A_284 = arith.constant 0 : i32
              %dma_start3A_285 = tpu.memref_slice %arg4[%dma_start3A_283, %dma_start3A_284] : memref<307200x128xf32, #tpu.memory_space<hbm>> -> memref<307200x128xf32, #tpu.memory_space<hbm>>
              tpu.enqueue_indirect_dma source(%dma_start3A_285 : memref<307200x128xf32, #tpu.memory_space<hbm>>) target(%arg13 : memref<192x128xf32, #tpu.memory_space<vmem>>) offsets(%arg10 : memref<192xi32, #tpu.memory_space<vmem>>) semaphore(%run_scoped3A : memref<!tpu.dma_semaphore, #tpu.memory_space<semaphore_mem>>)
              %dma_wait3A = arith.constant 0 : i32
              %dma_wait3A_286 = arith.constant 0 : i32
              %dma_wait3A_287 = tpu.memref_slice %arg4[%dma_wait3A, %dma_wait3A_286] : memref<307200x128xf32, #tpu.memory_space<hbm>> -> memref<307200x128xf32, #tpu.memory_space<hbm>>
              tpu.wait_indirect_dma semaphore(%run_scoped3A : memref<!tpu.dma_semaphore, #tpu.memory_space<semaphore_mem>>) src(%dma_wait3A_287 : memref<307200x128xf32, #tpu.memory_space<hbm>>) dst(%arg13 : memref<192x128xf32, #tpu.memory_space<vmem>>)
              tpu.yield
            }) : () -> ()
            %dma_start3A = arith.constant 0 : i32
            %dma_start3A_281 = arith.constant 0 : i32
            %dma_start3A_282 = tpu.memref_slice %arg18[%dma_start3A, %dma_start3A_281] : memref<7704x128xf32, #tpu.memory_space<vmem_shared>> -> memref<7704x128xf32, #tpu.memory_space<vmem_shared>>
            tpu.enqueue_indirect_dma source(%arg13 : memref<192x128xf32, #tpu.memory_space<vmem>>) target(%dma_start3A_282 : memref<7704x128xf32, #tpu.memory_space<vmem_shared>>) offsets(%arg11 : memref<192xi32, #tpu.memory_space<vmem>>) semaphore(%arg15 : memref<!tpu.dma_semaphore, #tpu.memory_space<semaphore_mem>>) {add = true}
          } else {
          }
          %jit3A_246 = arith.constant 2 : i32
          %eq3A_247 = arith.constant 0 : i32
          %eq3A_248 = arith.cmpi eq, %jit3A_246, %eq3A_247 : i32
          %jit3A_249 = arith.constant 1 : i32
          %select_n3A_250 = arith.select %eq3A_248, %jit3A_249, %jit3A_246 : i32
          %rem3A_251 = arith.remsi %while3A_222, %select_n3A_250 : i32
          %ne3A_252 = arith.constant 0 : i32
          %ne3A_253 = arith.cmpi ne, %rem3A_251, %ne3A_252 : i32
          %lt3A_254 = arith.constant 0 : i32
          %lt3A_255 = arith.cmpi slt, %rem3A_251, %lt3A_254 : i32
          %lt3A_256 = arith.constant 0 : i32
          %lt3A_257 = arith.cmpi slt, %select_n3A_250, %lt3A_256 : i32
          %ne3A_258 = arith.xori %lt3A_255, %lt3A_257 : i1
          %and3A_259 = arith.andi %ne3A_258, %ne3A_253 : i1
          %add3A_260 = arith.addi %rem3A_251, %select_n3A_250 : i32
          %select_n3A_261 = arith.select %and3A_259, %add3A_260, %rem3A_251 : i32
          %eq3A_262 = arith.constant 1 : i32
          %eq3A_263 = arith.cmpi eq, %select_n3A_261, %eq3A_262 : i32
          %convert_element_type3A_264 = arith.extui %eq3A_263 : i1 to i32
          %cond3A_265 = arith.constant 0 : i32
          %cond3A_266 = arith.cmpi ne, %convert_element_type3A_264, %cond3A_265 : i32
          scf.if %cond3A_266 {
            %ge3A_269 = arith.constant 2 : i32
            %ge3A_270 = arith.cmpi sge, %while3A_222, %ge3A_269 : i32
            %convert_element_type3A_271 = arith.extui %ge3A_270 : i1 to i32
            %cond3A_272 = arith.constant 0 : i32
            %cond3A_273 = arith.cmpi ne, %convert_element_type3A_271, %cond3A_272 : i32
            scf.if %cond3A_273 {
              %dma_wait3A = arith.constant 0 : i32
              %dma_wait3A_283 = arith.constant 0 : i32
              %dma_wait3A_284 = tpu.memref_slice %arg18[%dma_wait3A, %dma_wait3A_283] : memref<7704x128xf32, #tpu.memory_space<vmem_shared>> -> memref<7704x128xf32, #tpu.memory_space<vmem_shared>>
              tpu.wait_indirect_dma semaphore(%arg16 : memref<!tpu.dma_semaphore, #tpu.memory_space<semaphore_mem>>) src(%arg14 : memref<192x128xf32, #tpu.memory_space<vmem>>) dst(%dma_wait3A_284 : memref<7704x128xf32, #tpu.memory_space<vmem_shared>>)
            } else {
            }
            %scan3A_274 = arith.constant 0 : i32
            %scan3A_275 = arith.constant 0 : i32
            %scan3A_276 = arith.constant 4 : i32
            %scan3A_277 = arith.addi %scan3A_275, %scan3A_276 : i32
            %scan3A_278 = arith.constant 1 : i32
            %scan3A_279 = scf.for %scan3A_283 = %scan3A_275 to %scan3A_277 step %scan3A_278 iter_args(%scan3A_284 = %scan3A_274) -> (i32)  : i32 {
              %mul3A_285 = arith.constant 16 : i32
              %mul3A_286 = arith.muli %scan3A_283, %mul3A_285 : i32
              %add3A_287 = arith.addi %mul3A_224, %mul3A_286 : i32
              %get3A = arith.index_cast %add3A_287 : i32 to index
              %get3A_288 = tpu.vector_load %arg8[%get3A] {strides = array<i32>} : memref<4224xi32, #tpu.memory_space<vmem>>, vector<16xi32>,
              %mul3A_289 = arith.constant 3 : i32
              %mul3A_290 = vector.broadcast %mul3A_289 : i32 to vector<16xi32>
              %mul3A_291 = arith.muli %get3A_288, %mul3A_290 : vector<16xi32>
              %mul3A_292 = arith.constant 16 : i32
              %mul3A_293 = arith.muli %scan3A_283, %mul3A_292 : i32
              %add3A_294 = arith.addi %mul3A_224, %mul3A_293 : i32
              %get3A_295 = arith.index_cast %add3A_294 : i32 to index
              %get3A_296 = tpu.vector_load %arg9[%get3A_295] {strides = array<i32>} : memref<4224xi32, #tpu.memory_space<vmem>>, vector<16xi32>,
              %mul3A_297 = arith.constant 3 : i32
              %mul3A_298 = vector.broadcast %mul3A_297 : i32 to vector<16xi32>
              %mul3A_299 = arith.muli %get3A_296, %mul3A_298 : vector<16xi32>
              %mul3A_300 = arith.constant 16 : i32
              %mul3A_301 = arith.muli %scan3A_283, %mul3A_300 : i32
              %mul3A_302 = arith.constant 3 : i32
              %mul3A_303 = arith.muli %mul3A_301, %mul3A_302 : i32
              %iota3A = tpu.iota {dimensions = array<i32: 0>} : vector<16xi32>
              %mul3A_304 = arith.constant 3 : i32
              %mul3A_305 = vector.broadcast %mul3A_304 : i32 to vector<16xi32>
              %mul3A_306 = arith.muli %iota3A, %mul3A_305 : vector<16xi32>
              %add3A_307 = arith.constant 0 : i32
              %add3A_308 = arith.addi %mul3A_303, %add3A_307 : i32
              %add3A_309 = vector.broadcast %add3A_308 : i32 to vector<16xi32>
              %add3A_310 = arith.addi %mul3A_306, %add3A_309 : vector<16xi32>
              %add3A_311 = arith.constant 0 : i32
              %add3A_312 = vector.broadcast %add3A_311 : i32 to vector<16xi32>
              %add3A_313 = arith.addi %mul3A_291, %add3A_312 : vector<16xi32>
              tpu.vector_store_idx %arg10[%add3A_310], %add3A_313 : memref<192xi32, #tpu.memory_space<vmem>>[vector<16xi32>], vector<16xi32>,
              %add3A_314 = arith.constant 0 : i32
              %add3A_315 = arith.addi %mul3A_303, %add3A_314 : i32
              %add3A_316 = vector.broadcast %add3A_315 : i32 to vector<16xi32>
              %add3A_317 = arith.addi %mul3A_306, %add3A_316 : vector<16xi32>
              %add3A_318 = arith.constant 0 : i32
              %add3A_319 = vector.broadcast %add3A_318 : i32 to vector<16xi32>
              %add3A_320 = arith.addi %mul3A_299, %add3A_319 : vector<16xi32>
              tpu.vector_store_idx %arg12[%add3A_317], %add3A_320 : memref<192xi32, #tpu.memory_space<vmem>>[vector<16xi32>], vector<16xi32>,
              %add3A_321 = arith.constant 1 : i32
              %add3A_322 = arith.addi %mul3A_303, %add3A_321 : i32
              %add3A_323 = vector.broadcast %add3A_322 : i32 to vector<16xi32>
              %add3A_324 = arith.addi %mul3A_306, %add3A_323 : vector<16xi32>
              %add3A_325 = arith.constant 1 : i32
              %add3A_326 = vector.broadcast %add3A_325 : i32 to vector<16xi32>
              %add3A_327 = arith.addi %mul3A_291, %add3A_326 : vector<16xi32>
              tpu.vector_store_idx %arg10[%add3A_324], %add3A_327 : memref<192xi32, #tpu.memory_space<vmem>>[vector<16xi32>], vector<16xi32>,
              %add3A_328 = arith.constant 1 : i32
              %add3A_329 = arith.addi %mul3A_303, %add3A_328 : i32
              %add3A_330 = vector.broadcast %add3A_329 : i32 to vector<16xi32>
              %add3A_331 = arith.addi %mul3A_306, %add3A_330 : vector<16xi32>
              %add3A_332 = arith.constant 1 : i32
              %add3A_333 = vector.broadcast %add3A_332 : i32 to vector<16xi32>
              %add3A_334 = arith.addi %mul3A_299, %add3A_333 : vector<16xi32>
              tpu.vector_store_idx %arg12[%add3A_331], %add3A_334 : memref<192xi32, #tpu.memory_space<vmem>>[vector<16xi32>], vector<16xi32>,
              %add3A_335 = arith.constant 2 : i32
              %add3A_336 = arith.addi %mul3A_303, %add3A_335 : i32
              %add3A_337 = vector.broadcast %add3A_336 : i32 to vector<16xi32>
              %add3A_338 = arith.addi %mul3A_306, %add3A_337 : vector<16xi32>
              %add3A_339 = arith.constant 2 : i32
              %add3A_340 = vector.broadcast %add3A_339 : i32 to vector<16xi32>
              %add3A_341 = arith.addi %mul3A_291, %add3A_340 : vector<16xi32>
              tpu.vector_store_idx %arg10[%add3A_338], %add3A_341 : memref<192xi32, #tpu.memory_space<vmem>>[vector<16xi32>], vector<16xi32>,
              %add3A_342 = arith.constant 2 : i32
              %add3A_343 = arith.addi %mul3A_303, %add3A_342 : i32
              %add3A_344 = vector.broadcast %add3A_343 : i32 to vector<16xi32>
              %add3A_345 = arith.addi %mul3A_306, %add3A_344 : vector<16xi32>
              %add3A_346 = arith.constant 2 : i32
              %add3A_347 = vector.broadcast %add3A_346 : i32 to vector<16xi32>
              %add3A_348 = arith.addi %mul3A_299, %add3A_347 : vector<16xi32>
              tpu.vector_store_idx %arg12[%add3A_345], %add3A_348 : memref<192xi32, #tpu.memory_space<vmem>>[vector<16xi32>], vector<16xi32>,
              %scan3A_349 = arith.constant 0 : i32
              scf.yield %scan3A_349 : i32
            }
            %scan3A_280 = arith.constant 4 : i32
            "tpu.region"() ({
              %run_scoped3A = tpu.sem_alloc : memref<!tpu.dma_semaphore, #tpu.memory_space<semaphore_mem>>
              %dma_start3A_283 = arith.constant 0 : i32
              %dma_start3A_284 = arith.constant 0 : i32
              %dma_start3A_285 = tpu.memref_slice %arg4[%dma_start3A_283, %dma_start3A_284] : memref<307200x128xf32, #tpu.memory_space<hbm>> -> memref<307200x128xf32, #tpu.memory_space<hbm>>
              tpu.enqueue_indirect_dma source(%dma_start3A_285 : memref<307200x128xf32, #tpu.memory_space<hbm>>) target(%arg14 : memref<192x128xf32, #tpu.memory_space<vmem>>) offsets(%arg10 : memref<192xi32, #tpu.memory_space<vmem>>) semaphore(%run_scoped3A : memref<!tpu.dma_semaphore, #tpu.memory_space<semaphore_mem>>)
              %dma_wait3A = arith.constant 0 : i32
              %dma_wait3A_286 = arith.constant 0 : i32
              %dma_wait3A_287 = tpu.memref_slice %arg4[%dma_wait3A, %dma_wait3A_286] : memref<307200x128xf32, #tpu.memory_space<hbm>> -> memref<307200x128xf32, #tpu.memory_space<hbm>>
              tpu.wait_indirect_dma semaphore(%run_scoped3A : memref<!tpu.dma_semaphore, #tpu.memory_space<semaphore_mem>>) src(%dma_wait3A_287 : memref<307200x128xf32, #tpu.memory_space<hbm>>) dst(%arg14 : memref<192x128xf32, #tpu.memory_space<vmem>>)
              tpu.yield
            }) : () -> ()
            %dma_start3A = arith.constant 0 : i32
            %dma_start3A_281 = arith.constant 0 : i32
            %dma_start3A_282 = tpu.memref_slice %arg18[%dma_start3A, %dma_start3A_281] : memref<7704x128xf32, #tpu.memory_space<vmem_shared>> -> memref<7704x128xf32, #tpu.memory_space<vmem_shared>>
            tpu.enqueue_indirect_dma source(%arg14 : memref<192x128xf32, #tpu.memory_space<vmem>>) target(%dma_start3A_282 : memref<7704x128xf32, #tpu.memory_space<vmem_shared>>) offsets(%arg12 : memref<192xi32, #tpu.memory_space<vmem>>) semaphore(%arg16 : memref<!tpu.dma_semaphore, #tpu.memory_space<semaphore_mem>>) {add = true}
          } else {
          }
          %add3A_267 = arith.constant 1 : i32
          %add3A_268 = arith.addi %while3A_222, %add3A_267 : i32
          scf.yield %add3A_268 : i32
        }
        %while3A_219 = arith.constant 1 : i32
        %while3A_220 = scf.for %while3A_221 = %while3A_216 to %while3A_212 step %while3A_219 iter_args(%while3A_222 = %while3A_218) -> (i32)  : i32 {
          %mul3A_223 = arith.constant 64 : i32
          %mul3A_224 = arith.muli %while3A_221, %mul3A_223 : i32
          %jit3A_225 = arith.constant 2 : i32
          %eq3A_226 = arith.constant 0 : i32
          %eq3A_227 = arith.cmpi eq, %jit3A_225, %eq3A_226 : i32
          %jit3A_228 = arith.constant 1 : i32
          %select_n3A_229 = arith.select %eq3A_227, %jit3A_228, %jit3A_225 : i32
          %rem3A_230 = arith.remsi %while3A_222, %select_n3A_229 : i32
          %ne3A_231 = arith.constant 0 : i32
          %ne3A_232 = arith.cmpi ne, %rem3A_230, %ne3A_231 : i32
          %lt3A_233 = arith.constant 0 : i32
          %lt3A_234 = arith.cmpi slt, %rem3A_230, %lt3A_233 : i32
          %lt3A_235 = arith.constant 0 : i32
          %lt3A_236 = arith.cmpi slt, %select_n3A_229, %lt3A_235 : i32
          %ne3A_237 = arith.xori %lt3A_234, %lt3A_236 : i1
          %and3A_238 = arith.andi %ne3A_237, %ne3A_232 : i1
          %add3A_239 = arith.addi %rem3A_230, %select_n3A_229 : i32
          %select_n3A_240 = arith.select %and3A_238, %add3A_239, %rem3A_230 : i32
          %eq3A_241 = arith.constant 0 : i32
          %eq3A_242 = arith.cmpi eq, %select_n3A_240, %eq3A_241 : i32
          %convert_element_type3A_243 = arith.extui %eq3A_242 : i1 to i32
          %cond3A_244 = arith.constant 0 : i32
          %cond3A_245 = arith.cmpi ne, %convert_element_type3A_243, %cond3A_244 : i32
          scf.if %cond3A_245 {
            %ge3A_269 = arith.constant 2 : i32
            %ge3A_270 = arith.cmpi sge, %while3A_222, %ge3A_269 : i32
            %convert_element_type3A_271 = arith.extui %ge3A_270 : i1 to i32
            %cond3A_272 = arith.constant 0 : i32
            %cond3A_273 = arith.cmpi ne, %convert_element_type3A_271, %cond3A_272 : i32
            scf.if %cond3A_273 {
              %dma_wait3A = arith.constant 0 : i32
              %dma_wait3A_283 = arith.constant 0 : i32
              %dma_wait3A_284 = tpu.memref_slice %arg18[%dma_wait3A, %dma_wait3A_283] : memref<7704x128xf32, #tpu.memory_space<vmem_shared>> -> memref<7704x128xf32, #tpu.memory_space<vmem_shared>>
              tpu.wait_indirect_dma semaphore(%arg15 : memref<!tpu.dma_semaphore, #tpu.memory_space<semaphore_mem>>) src(%arg13 : memref<192x128xf32, #tpu.memory_space<vmem>>) dst(%dma_wait3A_284 : memref<7704x128xf32, #tpu.memory_space<vmem_shared>>)
            } else {
            }
            %scan3A_274 = arith.constant 0 : i32
            %scan3A_275 = arith.constant 0 : i32
            %scan3A_276 = arith.constant 4 : i32
            %scan3A_277 = arith.addi %scan3A_275, %scan3A_276 : i32
            %scan3A_278 = arith.constant 1 : i32
            %scan3A_279 = scf.for %scan3A_283 = %scan3A_275 to %scan3A_277 step %scan3A_278 iter_args(%scan3A_284 = %scan3A_274) -> (i32)  : i32 {
              %mul3A_285 = arith.constant 16 : i32
              %mul3A_286 = arith.muli %scan3A_283, %mul3A_285 : i32
              %add3A_287 = arith.addi %mul3A_224, %mul3A_286 : i32
              %get3A = arith.index_cast %add3A_287 : i32 to index
              %get3A_288 = tpu.vector_load %arg8[%get3A] {strides = array<i32>} : memref<4224xi32, #tpu.memory_space<vmem>>, vector<16xi32>,
              %mul3A_289 = arith.constant 3 : i32
              %mul3A_290 = vector.broadcast %mul3A_289 : i32 to vector<16xi32>
              %mul3A_291 = arith.muli %get3A_288, %mul3A_290 : vector<16xi32>
              %mul3A_292 = arith.constant 16 : i32
              %mul3A_293 = arith.muli %scan3A_283, %mul3A_292 : i32
              %add3A_294 = arith.addi %mul3A_224, %mul3A_293 : i32
              %get3A_295 = arith.index_cast %add3A_294 : i32 to index
              %get3A_296 = tpu.vector_load %arg9[%get3A_295] {strides = array<i32>} : memref<4224xi32, #tpu.memory_space<vmem>>, vector<16xi32>,
              %mul3A_297 = arith.constant 3 : i32
              %mul3A_298 = vector.broadcast %mul3A_297 : i32 to vector<16xi32>
              %mul3A_299 = arith.muli %get3A_296, %mul3A_298 : vector<16xi32>
              %mul3A_300 = arith.constant 16 : i32
              %mul3A_301 = arith.muli %scan3A_283, %mul3A_300 : i32
              %mul3A_302 = arith.constant 3 : i32
              %mul3A_303 = arith.muli %mul3A_301, %mul3A_302 : i32
              %iota3A = tpu.iota {dimensions = array<i32: 0>} : vector<16xi32>
              %mul3A_304 = arith.constant 3 : i32
              %mul3A_305 = vector.broadcast %mul3A_304 : i32 to vector<16xi32>
              %mul3A_306 = arith.muli %iota3A, %mul3A_305 : vector<16xi32>
              %add3A_307 = arith.constant 0 : i32
              %add3A_308 = arith.addi %mul3A_303, %add3A_307 : i32
              %add3A_309 = vector.broadcast %add3A_308 : i32 to vector<16xi32>
              %add3A_310 = arith.addi %mul3A_306, %add3A_309 : vector<16xi32>
              %add3A_311 = arith.constant 0 : i32
              %add3A_312 = vector.broadcast %add3A_311 : i32 to vector<16xi32>
              %add3A_313 = arith.addi %mul3A_291, %add3A_312 : vector<16xi32>
              tpu.vector_store_idx %arg10[%add3A_310], %add3A_313 : memref<192xi32, #tpu.memory_space<vmem>>[vector<16xi32>], vector<16xi32>,
              %add3A_314 = arith.constant 0 : i32
              %add3A_315 = arith.addi %mul3A_303, %add3A_314 : i32
              %add3A_316 = vector.broadcast %add3A_315 : i32 to vector<16xi32>
              %add3A_317 = arith.addi %mul3A_306, %add3A_316 : vector<16xi32>
              %add3A_318 = arith.constant 0 : i32
              %add3A_319 = vector.broadcast %add3A_318 : i32 to vector<16xi32>
              %add3A_320 = arith.addi %mul3A_299, %add3A_319 : vector<16xi32>
              tpu.vector_store_idx %arg11[%add3A_317], %add3A_320 : memref<192xi32, #tpu.memory_space<vmem>>[vector<16xi32>], vector<16xi32>,
              %add3A_321 = arith.constant 1 : i32
              %add3A_322 = arith.addi %mul3A_303, %add3A_321 : i32
              %add3A_323 = vector.broadcast %add3A_322 : i32 to vector<16xi32>
              %add3A_324 = arith.addi %mul3A_306, %add3A_323 : vector<16xi32>
              %add3A_325 = arith.constant 1 : i32
              %add3A_326 = vector.broadcast %add3A_325 : i32 to vector<16xi32>
              %add3A_327 = arith.addi %mul3A_291, %add3A_326 : vector<16xi32>
              tpu.vector_store_idx %arg10[%add3A_324], %add3A_327 : memref<192xi32, #tpu.memory_space<vmem>>[vector<16xi32>], vector<16xi32>,
              %add3A_328 = arith.constant 1 : i32
              %add3A_329 = arith.addi %mul3A_303, %add3A_328 : i32
              %add3A_330 = vector.broadcast %add3A_329 : i32 to vector<16xi32>
              %add3A_331 = arith.addi %mul3A_306, %add3A_330 : vector<16xi32>
              %add3A_332 = arith.constant 1 : i32
              %add3A_333 = vector.broadcast %add3A_332 : i32 to vector<16xi32>
              %add3A_334 = arith.addi %mul3A_299, %add3A_333 : vector<16xi32>
              tpu.vector_store_idx %arg11[%add3A_331], %add3A_334 : memref<192xi32, #tpu.memory_space<vmem>>[vector<16xi32>], vector<16xi32>,
              %add3A_335 = arith.constant 2 : i32
              %add3A_336 = arith.addi %mul3A_303, %add3A_335 : i32
              %add3A_337 = vector.broadcast %add3A_336 : i32 to vector<16xi32>
              %add3A_338 = arith.addi %mul3A_306, %add3A_337 : vector<16xi32>
              %add3A_339 = arith.constant 2 : i32
              %add3A_340 = vector.broadcast %add3A_339 : i32 to vector<16xi32>
              %add3A_341 = arith.addi %mul3A_291, %add3A_340 : vector<16xi32>
              tpu.vector_store_idx %arg10[%add3A_338], %add3A_341 : memref<192xi32, #tpu.memory_space<vmem>>[vector<16xi32>], vector<16xi32>,
              %add3A_342 = arith.constant 2 : i32
              %add3A_343 = arith.addi %mul3A_303, %add3A_342 : i32
              %add3A_344 = vector.broadcast %add3A_343 : i32 to vector<16xi32>
              %add3A_345 = arith.addi %mul3A_306, %add3A_344 : vector<16xi32>
              %add3A_346 = arith.constant 2 : i32
              %add3A_347 = vector.broadcast %add3A_346 : i32 to vector<16xi32>
              %add3A_348 = arith.addi %mul3A_299, %add3A_347 : vector<16xi32>
              tpu.vector_store_idx %arg11[%add3A_345], %add3A_348 : memref<192xi32, #tpu.memory_space<vmem>>[vector<16xi32>], vector<16xi32>,
              %scan3A_349 = arith.constant 0 : i32
              scf.yield %scan3A_349 : i32
            }
            %scan3A_280 = arith.constant 4 : i32
            "tpu.region"() ({
              %run_scoped3A = tpu.sem_alloc : memref<!tpu.dma_semaphore, #tpu.memory_space<semaphore_mem>>
              %dma_start3A_283 = arith.constant 0 : i32
              %dma_start3A_284 = arith.constant 0 : i32
              %dma_start3A_285 = tpu.memref_slice %arg4[%dma_start3A_283, %dma_start3A_284] : memref<307200x128xf32, #tpu.memory_space<hbm>> -> memref<307200x128xf32, #tpu.memory_space<hbm>>
              tpu.enqueue_indirect_dma source(%dma_start3A_285 : memref<307200x128xf32, #tpu.memory_space<hbm>>) target(%arg13 : memref<192x128xf32, #tpu.memory_space<vmem>>) offsets(%arg10 : memref<192xi32, #tpu.memory_space<vmem>>) semaphore(%run_scoped3A : memref<!tpu.dma_semaphore, #tpu.memory_space<semaphore_mem>>)
              %dma_wait3A = arith.constant 0 : i32
              %dma_wait3A_286 = arith.constant 0 : i32
              %dma_wait3A_287 = tpu.memref_slice %arg4[%dma_wait3A, %dma_wait3A_286] : memref<307200x128xf32, #tpu.memory_space<hbm>> -> memref<307200x128xf32, #tpu.memory_space<hbm>>
              tpu.wait_indirect_dma semaphore(%run_scoped3A : memref<!tpu.dma_semaphore, #tpu.memory_space<semaphore_mem>>) src(%dma_wait3A_287 : memref<307200x128xf32, #tpu.memory_space<hbm>>) dst(%arg13 : memref<192x128xf32, #tpu.memory_space<vmem>>)
              tpu.yield
            }) : () -> ()
            %dma_start3A = arith.constant 0 : i32
            %dma_start3A_281 = arith.constant 0 : i32
            %dma_start3A_282 = tpu.memref_slice %arg18[%dma_start3A, %dma_start3A_281] : memref<7704x128xf32, #tpu.memory_space<vmem_shared>> -> memref<7704x128xf32, #tpu.memory_space<vmem_shared>>
            tpu.enqueue_indirect_dma source(%arg13 : memref<192x128xf32, #tpu.memory_space<vmem>>) target(%dma_start3A_282 : memref<7704x128xf32, #tpu.memory_space<vmem_shared>>) offsets(%arg11 : memref<192xi32, #tpu.memory_space<vmem>>) semaphore(%arg15 : memref<!tpu.dma_semaphore, #tpu.memory_space<semaphore_mem>>) {add = true}
          } else {
          }
          %jit3A_246 = arith.constant 2 : i32
          %eq3A_247 = arith.constant 0 : i32
          %eq3A_248 = arith.cmpi eq, %jit3A_246, %eq3A_247 : i32
          %jit3A_249 = arith.constant 1 : i32
          %select_n3A_250 = arith.select %eq3A_248, %jit3A_249, %jit3A_246 : i32
          %rem3A_251 = arith.remsi %while3A_222, %select_n3A_250 : i32
          %ne3A_252 = arith.constant 0 : i32
          %ne3A_253 = arith.cmpi ne, %rem3A_251, %ne3A_252 : i32
          %lt3A_254 = arith.constant 0 : i32
          %lt3A_255 = arith.cmpi slt, %rem3A_251, %lt3A_254 : i32
          %lt3A_256 = arith.constant 0 : i32
          %lt3A_257 = arith.cmpi slt, %select_n3A_250, %lt3A_256 : i32
          %ne3A_258 = arith.xori %lt3A_255, %lt3A_257 : i1
          %and3A_259 = arith.andi %ne3A_258, %ne3A_253 : i1
          %add3A_260 = arith.addi %rem3A_251, %select_n3A_250 : i32
          %select_n3A_261 = arith.select %and3A_259, %add3A_260, %rem3A_251 : i32
          %eq3A_262 = arith.constant 1 : i32
          %eq3A_263 = arith.cmpi eq, %select_n3A_261, %eq3A_262 : i32
          %convert_element_type3A_264 = arith.extui %eq3A_263 : i1 to i32
          %cond3A_265 = arith.constant 0 : i32
          %cond3A_266 = arith.cmpi ne, %convert_element_type3A_264, %cond3A_265 : i32
          scf.if %cond3A_266 {
            %ge3A_269 = arith.constant 2 : i32
            %ge3A_270 = arith.cmpi sge, %while3A_222, %ge3A_269 : i32
            %convert_element_type3A_271 = arith.extui %ge3A_270 : i1 to i32
            %cond3A_272 = arith.constant 0 : i32
            %cond3A_273 = arith.cmpi ne, %convert_element_type3A_271, %cond3A_272 : i32
            scf.if %cond3A_273 {
              %dma_wait3A = arith.constant 0 : i32
              %dma_wait3A_283 = arith.constant 0 : i32
              %dma_wait3A_284 = tpu.memref_slice %arg18[%dma_wait3A, %dma_wait3A_283] : memref<7704x128xf32, #tpu.memory_space<vmem_shared>> -> memref<7704x128xf32, #tpu.memory_space<vmem_shared>>
              tpu.wait_indirect_dma semaphore(%arg16 : memref<!tpu.dma_semaphore, #tpu.memory_space<semaphore_mem>>) src(%arg14 : memref<192x128xf32, #tpu.memory_space<vmem>>) dst(%dma_wait3A_284 : memref<7704x128xf32, #tpu.memory_space<vmem_shared>>)
            } else {
            }
            %scan3A_274 = arith.constant 0 : i32
            %scan3A_275 = arith.constant 0 : i32
            %scan3A_276 = arith.constant 4 : i32
            %scan3A_277 = arith.addi %scan3A_275, %scan3A_276 : i32
            %scan3A_278 = arith.constant 1 : i32
            %scan3A_279 = scf.for %scan3A_283 = %scan3A_275 to %scan3A_277 step %scan3A_278 iter_args(%scan3A_284 = %scan3A_274) -> (i32)  : i32 {
              %mul3A_285 = arith.constant 16 : i32
              %mul3A_286 = arith.muli %scan3A_283, %mul3A_285 : i32
              %add3A_287 = arith.addi %mul3A_224, %mul3A_286 : i32
              %get3A = arith.index_cast %add3A_287 : i32 to index
              %get3A_288 = tpu.vector_load %arg8[%get3A] {strides = array<i32>} : memref<4224xi32, #tpu.memory_space<vmem>>, vector<16xi32>,
              %mul3A_289 = arith.constant 3 : i32
              %mul3A_290 = vector.broadcast %mul3A_289 : i32 to vector<16xi32>
              %mul3A_291 = arith.muli %get3A_288, %mul3A_290 : vector<16xi32>
              %mul3A_292 = arith.constant 16 : i32
              %mul3A_293 = arith.muli %scan3A_283, %mul3A_292 : i32
              %add3A_294 = arith.addi %mul3A_224, %mul3A_293 : i32
              %get3A_295 = arith.index_cast %add3A_294 : i32 to index
              %get3A_296 = tpu.vector_load %arg9[%get3A_295] {strides = array<i32>} : memref<4224xi32, #tpu.memory_space<vmem>>, vector<16xi32>,
              %mul3A_297 = arith.constant 3 : i32
              %mul3A_298 = vector.broadcast %mul3A_297 : i32 to vector<16xi32>
              %mul3A_299 = arith.muli %get3A_296, %mul3A_298 : vector<16xi32>
              %mul3A_300 = arith.constant 16 : i32
              %mul3A_301 = arith.muli %scan3A_283, %mul3A_300 : i32
              %mul3A_302 = arith.constant 3 : i32
              %mul3A_303 = arith.muli %mul3A_301, %mul3A_302 : i32
              %iota3A = tpu.iota {dimensions = array<i32: 0>} : vector<16xi32>
              %mul3A_304 = arith.constant 3 : i32
              %mul3A_305 = vector.broadcast %mul3A_304 : i32 to vector<16xi32>
              %mul3A_306 = arith.muli %iota3A, %mul3A_305 : vector<16xi32>
              %add3A_307 = arith.constant 0 : i32
              %add3A_308 = arith.addi %mul3A_303, %add3A_307 : i32
              %add3A_309 = vector.broadcast %add3A_308 : i32 to vector<16xi32>
              %add3A_310 = arith.addi %mul3A_306, %add3A_309 : vector<16xi32>
              %add3A_311 = arith.constant 0 : i32
              %add3A_312 = vector.broadcast %add3A_311 : i32 to vector<16xi32>
              %add3A_313 = arith.addi %mul3A_291, %add3A_312 : vector<16xi32>
              tpu.vector_store_idx %arg10[%add3A_310], %add3A_313 : memref<192xi32, #tpu.memory_space<vmem>>[vector<16xi32>], vector<16xi32>,
              %add3A_314 = arith.constant 0 : i32
              %add3A_315 = arith.addi %mul3A_303, %add3A_314 : i32
              %add3A_316 = vector.broadcast %add3A_315 : i32 to vector<16xi32>
              %add3A_317 = arith.addi %mul3A_306, %add3A_316 : vector<16xi32>
              %add3A_318 = arith.constant 0 : i32
              %add3A_319 = vector.broadcast %add3A_318 : i32 to vector<16xi32>
              %add3A_320 = arith.addi %mul3A_299, %add3A_319 : vector<16xi32>
              tpu.vector_store_idx %arg12[%add3A_317], %add3A_320 : memref<192xi32, #tpu.memory_space<vmem>>[vector<16xi32>], vector<16xi32>,
              %add3A_321 = arith.constant 1 : i32
              %add3A_322 = arith.addi %mul3A_303, %add3A_321 : i32
              %add3A_323 = vector.broadcast %add3A_322 : i32 to vector<16xi32>
              %add3A_324 = arith.addi %mul3A_306, %add3A_323 : vector<16xi32>
              %add3A_325 = arith.constant 1 : i32
              %add3A_326 = vector.broadcast %add3A_325 : i32 to vector<16xi32>
              %add3A_327 = arith.addi %mul3A_291, %add3A_326 : vector<16xi32>
              tpu.vector_store_idx %arg10[%add3A_324], %add3A_327 : memref<192xi32, #tpu.memory_space<vmem>>[vector<16xi32>], vector<16xi32>,
              %add3A_328 = arith.constant 1 : i32
              %add3A_329 = arith.addi %mul3A_303, %add3A_328 : i32
              %add3A_330 = vector.broadcast %add3A_329 : i32 to vector<16xi32>
              %add3A_331 = arith.addi %mul3A_306, %add3A_330 : vector<16xi32>
              %add3A_332 = arith.constant 1 : i32
              %add3A_333 = vector.broadcast %add3A_332 : i32 to vector<16xi32>
              %add3A_334 = arith.addi %mul3A_299, %add3A_333 : vector<16xi32>
              tpu.vector_store_idx %arg12[%add3A_331], %add3A_334 : memref<192xi32, #tpu.memory_space<vmem>>[vector<16xi32>], vector<16xi32>,
              %add3A_335 = arith.constant 2 : i32
              %add3A_336 = arith.addi %mul3A_303, %add3A_335 : i32
              %add3A_337 = vector.broadcast %add3A_336 : i32 to vector<16xi32>
              %add3A_338 = arith.addi %mul3A_306, %add3A_337 : vector<16xi32>
              %add3A_339 = arith.constant 2 : i32
              %add3A_340 = vector.broadcast %add3A_339 : i32 to vector<16xi32>
              %add3A_341 = arith.addi %mul3A_291, %add3A_340 : vector<16xi32>
              tpu.vector_store_idx %arg10[%add3A_338], %add3A_341 : memref<192xi32, #tpu.memory_space<vmem>>[vector<16xi32>], vector<16xi32>,
              %add3A_342 = arith.constant 2 : i32
              %add3A_343 = arith.addi %mul3A_303, %add3A_342 : i32
              %add3A_344 = vector.broadcast %add3A_343 : i32 to vector<16xi32>
              %add3A_345 = arith.addi %mul3A_306, %add3A_344 : vector<16xi32>
              %add3A_346 = arith.constant 2 : i32
              %add3A_347 = vector.broadcast %add3A_346 : i32 to vector<16xi32>
              %add3A_348 = arith.addi %mul3A_299, %add3A_347 : vector<16xi32>
              tpu.vector_store_idx %arg12[%add3A_345], %add3A_348 : memref<192xi32, #tpu.memory_space<vmem>>[vector<16xi32>], vector<16xi32>,
              %scan3A_349 = arith.constant 0 : i32
              scf.yield %scan3A_349 : i32
            }
            %scan3A_280 = arith.constant 4 : i32
            "tpu.region"() ({
              %run_scoped3A = tpu.sem_alloc : memref<!tpu.dma_semaphore, #tpu.memory_space<semaphore_mem>>
              %dma_start3A_283 = arith.constant 0 : i32
              %dma_start3A_284 = arith.constant 0 : i32
              %dma_start3A_285 = tpu.memref_slice %arg4[%dma_start3A_283, %dma_start3A_284] : memref<307200x128xf32, #tpu.memory_space<hbm>> -> memref<307200x128xf32, #tpu.memory_space<hbm>>
              tpu.enqueue_indirect_dma source(%dma_start3A_285 : memref<307200x128xf32, #tpu.memory_space<hbm>>) target(%arg14 : memref<192x128xf32, #tpu.memory_space<vmem>>) offsets(%arg10 : memref<192xi32, #tpu.memory_space<vmem>>) semaphore(%run_scoped3A : memref<!tpu.dma_semaphore, #tpu.memory_space<semaphore_mem>>)
              %dma_wait3A = arith.constant 0 : i32
              %dma_wait3A_286 = arith.constant 0 : i32
              %dma_wait3A_287 = tpu.memref_slice %arg4[%dma_wait3A, %dma_wait3A_286] : memref<307200x128xf32, #tpu.memory_space<hbm>> -> memref<307200x128xf32, #tpu.memory_space<hbm>>
              tpu.wait_indirect_dma semaphore(%run_scoped3A : memref<!tpu.dma_semaphore, #tpu.memory_space<semaphore_mem>>) src(%dma_wait3A_287 : memref<307200x128xf32, #tpu.memory_space<hbm>>) dst(%arg14 : memref<192x128xf32, #tpu.memory_space<vmem>>)
              tpu.yield
            }) : () -> ()
            %dma_start3A = arith.constant 0 : i32
            %dma_start3A_281 = arith.constant 0 : i32
            %dma_start3A_282 = tpu.memref_slice %arg18[%dma_start3A, %dma_start3A_281] : memref<7704x128xf32, #tpu.memory_space<vmem_shared>> -> memref<7704x128xf32, #tpu.memory_space<vmem_shared>>
            tpu.enqueue_indirect_dma source(%arg14 : memref<192x128xf32, #tpu.memory_space<vmem>>) target(%dma_start3A_282 : memref<7704x128xf32, #tpu.memory_space<vmem_shared>>) offsets(%arg12 : memref<192xi32, #tpu.memory_space<vmem>>) semaphore(%arg16 : memref<!tpu.dma_semaphore, #tpu.memory_space<semaphore_mem>>) {add = true}
          } else {
          }
          %add3A_267 = arith.constant 1 : i32
          %add3A_268 = arith.addi %while3A_222, %add3A_267 : i32
          scf.yield %add3A_268 : i32
        }
        scf.yield %while3A_220 : i32
      }
      %scan3A_33 = arith.constant 25 : i32
      %ge3A = arith.constant 1 : i32
      %ge3A_34 = arith.cmpi sge, %scan3A_32, %ge3A : i32
      %jit3A = arith.constant 2 : i32
      %eq3A = arith.constant 0 : i32
      %eq3A_35 = arith.cmpi eq, %jit3A, %eq3A : i32
      %jit3A_36 = arith.constant 1 : i32
      %select_n3A = arith.select %eq3A_35, %jit3A_36, %jit3A : i32
      %rem3A = arith.remsi %scan3A_32, %select_n3A : i32
      %ne3A = arith.constant 0 : i32
      %ne3A_37 = arith.cmpi ne, %rem3A, %ne3A : i32
      %lt3A = arith.constant 0 : i32
      %lt3A_38 = arith.cmpi slt, %rem3A, %lt3A : i32
      %lt3A_39 = arith.constant 0 : i32
      %lt3A_40 = arith.cmpi slt, %select_n3A, %lt3A_39 : i32
      %ne3A_41 = arith.xori %lt3A_38, %lt3A_40 : i1
      %and3A = arith.andi %ne3A_41, %ne3A_37 : i1
      %add3A_42 = arith.addi %rem3A, %select_n3A : i32
      %select_n3A_43 = arith.select %and3A, %add3A_42, %rem3A : i32
      %eq3A_44 = arith.constant 1 : i32
      %eq3A_45 = arith.cmpi eq, %select_n3A_43, %eq3A_44 : i32
      %and3A_46 = arith.andi %ge3A_34, %eq3A_45 : i1
      %convert_element_type3A = arith.extui %and3A_46 : i1 to i32
      %cond3A = arith.constant 0 : i32
      %cond3A_47 = arith.cmpi ne, %convert_element_type3A, %cond3A : i32
      scf.if %cond3A_47 {
        %dma_wait3A = arith.constant 0 : i32
        %dma_wait3A_128 = arith.constant 0 : i32
        %dma_wait3A_129 = tpu.memref_slice %arg18[%dma_wait3A, %dma_wait3A_128] : memref<7704x128xf32, #tpu.memory_space<vmem_shared>> -> memref<7704x128xf32, #tpu.memory_space<vmem_shared>>
        tpu.wait_indirect_dma semaphore(%arg15 : memref<!tpu.dma_semaphore, #tpu.memory_space<semaphore_mem>>) src(%arg13 : memref<192x128xf32, #tpu.memory_space<vmem>>) dst(%dma_wait3A_129 : memref<7704x128xf32, #tpu.memory_space<vmem_shared>>)
      } else {
      }
      %ge3A_48 = arith.constant 1 : i32
      %ge3A_49 = arith.cmpi sge, %scan3A_32, %ge3A_48 : i32
      %jit3A_50 = arith.constant 2 : i32
      %eq3A_51 = arith.constant 0 : i32
      %eq3A_52 = arith.cmpi eq, %jit3A_50, %eq3A_51 : i32
      %jit3A_53 = arith.constant 1 : i32
      %select_n3A_54 = arith.select %eq3A_52, %jit3A_53, %jit3A_50 : i32
      %rem3A_55 = arith.remsi %scan3A_32, %select_n3A_54 : i32
      %ne3A_56 = arith.constant 0 : i32
      %ne3A_57 = arith.cmpi ne, %rem3A_55, %ne3A_56 : i32
      %lt3A_58 = arith.constant 0 : i32
      %lt3A_59 = arith.cmpi slt, %rem3A_55, %lt3A_58 : i32
      %lt3A_60 = arith.constant 0 : i32
      %lt3A_61 = arith.cmpi slt, %select_n3A_54, %lt3A_60 : i32
      %ne3A_62 = arith.xori %lt3A_59, %lt3A_61 : i1
      %and3A_63 = arith.andi %ne3A_62, %ne3A_57 : i1
      %add3A_64 = arith.addi %rem3A_55, %select_n3A_54 : i32
      %select_n3A_65 = arith.select %and3A_63, %add3A_64, %rem3A_55 : i32
      %eq3A_66 = arith.constant 0 : i32
      %eq3A_67 = arith.cmpi eq, %select_n3A_65, %eq3A_66 : i32
      %and3A_68 = arith.andi %ge3A_49, %eq3A_67 : i1
      %convert_element_type3A_69 = arith.extui %and3A_68 : i1 to i32
      %cond3A_70 = arith.constant 0 : i32
      %cond3A_71 = arith.cmpi ne, %convert_element_type3A_69, %cond3A_70 : i32
      scf.if %cond3A_71 {
        %dma_wait3A = arith.constant 0 : i32
        %dma_wait3A_128 = arith.constant 0 : i32
        %dma_wait3A_129 = tpu.memref_slice %arg18[%dma_wait3A, %dma_wait3A_128] : memref<7704x128xf32, #tpu.memory_space<vmem_shared>> -> memref<7704x128xf32, #tpu.memory_space<vmem_shared>>
        tpu.wait_indirect_dma semaphore(%arg16 : memref<!tpu.dma_semaphore, #tpu.memory_space<semaphore_mem>>) src(%arg14 : memref<192x128xf32, #tpu.memory_space<vmem>>) dst(%dma_wait3A_129 : memref<7704x128xf32, #tpu.memory_space<vmem_shared>>)
      } else {
      }
      %ge3A_72 = arith.constant 2 : i32
      %ge3A_73 = arith.cmpi sge, %scan3A_32, %ge3A_72 : i32
      %jit3A_74 = arith.constant 2 : i32
      %eq3A_75 = arith.constant 0 : i32
      %eq3A_76 = arith.cmpi eq, %jit3A_74, %eq3A_75 : i32
      %jit3A_77 = arith.constant 1 : i32
      %select_n3A_78 = arith.select %eq3A_76, %jit3A_77, %jit3A_74 : i32
      %rem3A_79 = arith.remsi %scan3A_32, %select_n3A_78 : i32
      %ne3A_80 = arith.constant 0 : i32
      %ne3A_81 = arith.cmpi ne, %rem3A_79, %ne3A_80 : i32
      %lt3A_82 = arith.constant 0 : i32
      %lt3A_83 = arith.cmpi slt, %rem3A_79, %lt3A_82 : i32
      %lt3A_84 = arith.constant 0 : i32
      %lt3A_85 = arith.cmpi slt, %select_n3A_78, %lt3A_84 : i32
      %ne3A_86 = arith.xori %lt3A_83, %lt3A_85 : i1
      %and3A_87 = arith.andi %ne3A_86, %ne3A_81 : i1
      %add3A_88 = arith.addi %rem3A_79, %select_n3A_78 : i32
      %select_n3A_89 = arith.select %and3A_87, %add3A_88, %rem3A_79 : i32
      %eq3A_90 = arith.constant 1 : i32
      %eq3A_91 = arith.cmpi eq, %select_n3A_89, %eq3A_90 : i32
      %and3A_92 = arith.andi %ge3A_73, %eq3A_91 : i1
      %convert_element_type3A_93 = arith.extui %and3A_92 : i1 to i32
      %cond3A_94 = arith.constant 0 : i32
      %cond3A_95 = arith.cmpi ne, %convert_element_type3A_93, %cond3A_94 : i32
      scf.if %cond3A_95 {
        %dma_wait3A = arith.constant 0 : i32
        %dma_wait3A_128 = arith.constant 0 : i32
        %dma_wait3A_129 = tpu.memref_slice %arg18[%dma_wait3A, %dma_wait3A_128] : memref<7704x128xf32, #tpu.memory_space<vmem_shared>> -> memref<7704x128xf32, #tpu.memory_space<vmem_shared>>
        tpu.wait_indirect_dma semaphore(%arg16 : memref<!tpu.dma_semaphore, #tpu.memory_space<semaphore_mem>>) src(%arg14 : memref<192x128xf32, #tpu.memory_space<vmem>>) dst(%dma_wait3A_129 : memref<7704x128xf32, #tpu.memory_space<vmem_shared>>)
      } else {
      }
      %ge3A_96 = arith.constant 2 : i32
      %ge3A_97 = arith.cmpi sge, %scan3A_32, %ge3A_96 : i32
      %jit3A_98 = arith.constant 2 : i32
      %eq3A_99 = arith.constant 0 : i32
      %eq3A_100 = arith.cmpi eq, %jit3A_98, %eq3A_99 : i32
      %jit3A_101 = arith.constant 1 : i32
      %select_n3A_102 = arith.select %eq3A_100, %jit3A_101, %jit3A_98 : i32
      %rem3A_103 = arith.remsi %scan3A_32, %select_n3A_102 : i32
      %ne3A_104 = arith.constant 0 : i32
      %ne3A_105 = arith.cmpi ne, %rem3A_103, %ne3A_104 : i32
      %lt3A_106 = arith.constant 0 : i32
      %lt3A_107 = arith.cmpi slt, %rem3A_103, %lt3A_106 : i32
      %lt3A_108 = arith.constant 0 : i32
      %lt3A_109 = arith.cmpi slt, %select_n3A_102, %lt3A_108 : i32
      %ne3A_110 = arith.xori %lt3A_107, %lt3A_109 : i1
      %and3A_111 = arith.andi %ne3A_110, %ne3A_105 : i1
      %add3A_112 = arith.addi %rem3A_103, %select_n3A_102 : i32
      %select_n3A_113 = arith.select %and3A_111, %add3A_112, %rem3A_103 : i32
      %eq3A_114 = arith.constant 0 : i32
      %eq3A_115 = arith.cmpi eq, %select_n3A_113, %eq3A_114 : i32
      %and3A_116 = arith.andi %ge3A_97, %eq3A_115 : i1
      %convert_element_type3A_117 = arith.extui %and3A_116 : i1 to i32
      %cond3A_118 = arith.constant 0 : i32
      %cond3A_119 = arith.cmpi ne, %convert_element_type3A_117, %cond3A_118 : i32
      scf.if %cond3A_119 {
        %dma_wait3A = arith.constant 0 : i32
        %dma_wait3A_128 = arith.constant 0 : i32
        %dma_wait3A_129 = tpu.memref_slice %arg18[%dma_wait3A, %dma_wait3A_128] : memref<7704x128xf32, #tpu.memory_space<vmem_shared>> -> memref<7704x128xf32, #tpu.memory_space<vmem_shared>>
        tpu.wait_indirect_dma semaphore(%arg15 : memref<!tpu.dma_semaphore, #tpu.memory_space<semaphore_mem>>) src(%arg13 : memref<192x128xf32, #tpu.memory_space<vmem>>) dst(%dma_wait3A_129 : memref<7704x128xf32, #tpu.memory_space<vmem_shared>>)
      } else {
      }
      %barrier3A_120 = arith.constant 0 : index
      tpu.barrier barrier_id(%barrier3A_120)
      %mul3A_121 = arith.constant 480 : i32
      %mul3A_122 = arith.muli %arg1, %mul3A_121 : i32
      %mul3A_123 = arith.constant 3 : i32
      %mul3A_124 = arith.muli %mul3A_19, %mul3A_123 : i32
      %add3A_125 = arith.addi %mul3A_124, %mul3A_122 : i32
      "tpu.region"() ({
        %run_scoped3A = tpu.sem_alloc : memref<!tpu.dma_semaphore, #tpu.memory_space<semaphore_mem>>
        %dma_start3A = arith.constant 0 : i32
        %dma_start3A_128 = tpu.memref_slice %arg5[%add3A_125, %dma_start3A] : memref<307200x128xf32, #tpu.memory_space<hbm>> -> memref<480x128xf32, #tpu.memory_space<hbm>>
        %dma_start3A_129 = arith.constant 0 : i32
        %dma_start3A_130 = tpu.memref_slice %arg18[%mul3A_122, %dma_start3A_129] : memref<7704x128xf32, #tpu.memory_space<vmem_shared>> -> memref<480x128xf32, #tpu.memory_space<vmem_shared>>
        tpu.enqueue_dma source(%dma_start3A_130 : memref<480x128xf32, #tpu.memory_space<vmem_shared>>) target(%dma_start3A_128 : memref<480x128xf32, #tpu.memory_space<hbm>>) target_semaphore(%run_scoped3A : memref<!tpu.dma_semaphore, #tpu.memory_space<semaphore_mem>>)
        %dma_wait3A = arith.constant 0 : i32
        %dma_wait3A_131 = tpu.memref_slice %arg5[%add3A_125, %dma_wait3A] : memref<307200x128xf32, #tpu.memory_space<hbm>> -> memref<480x128xf32, #tpu.memory_space<hbm>>
        %dma_wait3A_132 = arith.constant 0 : i32
        %dma_wait3A_133 = tpu.memref_slice %arg18[%mul3A_122, %dma_wait3A_132] : memref<7704x128xf32, #tpu.memory_space<vmem_shared>> -> memref<480x128xf32, #tpu.memory_space<vmem_shared>>
        tpu.wait_dma2 semaphore(%run_scoped3A : memref<!tpu.dma_semaphore, #tpu.memory_space<semaphore_mem>>) src(%dma_wait3A_133 : memref<480x128xf32, #tpu.memory_space<vmem_shared>>) dst(%dma_wait3A_131 : memref<480x128xf32, #tpu.memory_space<hbm>>)
        tpu.yield
      }) : () -> ()
      %barrier3A_126 = arith.constant 0 : index
      tpu.barrier barrier_id(%barrier3A_126)
      %scan3A_127 = arith.constant 0 : i32
      scf.yield %scan3A_127 : i32
    }
    %scan3A_13 = arith.constant 20 : i32
    return
  }
}

module attributes {stable_mosaic.version = 14 : i64} {
  func.func @_scale_body(%arg0: i32, %arg1: memref<512x2xf32, #tpu.memory_space<vmem>>, %arg2: memref<512x384xf32, #tpu.memory_space<vmem>>, %arg3: memref<512x384xf32, #tpu.memory_space<vmem>>, %arg4: memref<512x1xf32, #tpu.memory_space<vmem>>) attributes {dimension_semantics = [#tpu.dimension_semantics<arbitrary>], iteration_bounds = array<i64: 200>, scalar_prefetch = 0 : i64, scratch_operands = 0 : i64, tpu.core_type = #tpu.core_type<tc>, window_params = [{transform_indices = @transform_0, window_bounds = array<i64: 512, 2>}, {transform_indices = @transform_1, window_bounds = array<i64: 512, 384>}, {transform_indices = @transform_2, window_bounds = array<i64: 512, 384>}, {transform_indices = @transform_3, window_bounds = array<i64: 512, 1>}]} {
    %get3A = arith.constant 0 : index
    %get3A_0 = arith.constant 0 : index
    %get3A_1 = vector.load %arg1[%get3A, %get3A_0] : memref<512x2xf32, #tpu.memory_space<vmem>>, vector<512x1xf32>
    %get3A_2 = arith.constant 0 : index
    %get3A_3 = arith.constant 1 : index
    %get3A_4 = vector.load %arg1[%get3A_2, %get3A_3] : memref<512x2xf32, #tpu.memory_space<vmem>>, vector<512x1xf32>
    %add3A = arith.addf %get3A_1, %get3A_4 : vector<512x1xf32>
    %add3A_5 = arith.constant 1.000000e+00 : f32
    %add3A_6 = vector.broadcast %add3A_5 : f32 to vector<512x1xf32>
    %add3A_7 = arith.addf %add3A, %add3A_6 : vector<512x1xf32>
    %rsqrt3A = math.rsqrt %add3A_7 : vector<512x1xf32>
    %get3A_8 = arith.constant 0 : index
    %get3A_9 = arith.constant 0 : index
    %get3A_10 = vector.load %arg2[%get3A_8, %get3A_9] : memref<512x384xf32, #tpu.memory_space<vmem>>, vector<512x384xf32>
    %mul3A = vector.broadcast %rsqrt3A : vector<512x1xf32> to vector<512x384xf32>
    %mul3A_11 = arith.mulf %get3A_10, %mul3A : vector<512x384xf32>
    %swap3A = arith.constant 0 : index
    %swap3A_12 = arith.constant 0 : index
    %swap3A_13 = vector.load %arg3[%swap3A, %swap3A_12] : memref<512x384xf32, #tpu.memory_space<vmem>>, vector<512x384xf32>
    tpu.vector_store %arg3[%swap3A, %swap3A_12], %mul3A_11 {strides = array<i32>} : memref<512x384xf32, #tpu.memory_space<vmem>>, vector<512x384xf32>,
    %swap3A_14 = arith.constant 0 : index
    %swap3A_15 = arith.constant 0 : index
    %swap3A_16 = vector.load %arg4[%swap3A_14, %swap3A_15] : memref<512x1xf32, #tpu.memory_space<vmem>>, vector<512x1xf32>
    tpu.vector_store %arg4[%swap3A_14, %swap3A_15], %rsqrt3A {strides = array<i32>} : memref<512x1xf32, #tpu.memory_space<vmem>>, vector<512x1xf32>,
    return
  }
  func.func @transform_0(%arg0: i32) -> (i32, i32) {
    %c0_i32 = arith.constant 0 : i32
    %c0_i32_0 = arith.constant 0 : i32
    return %arg0, %c0_i32 : i32, i32
  }
  func.func @transform_1(%arg0: i32) -> (i32, i32) {
    %c0_i32 = arith.constant 0 : i32
    %c0_i32_0 = arith.constant 0 : i32
    return %arg0, %c0_i32 : i32, i32
  }
  func.func @transform_2(%arg0: i32) -> (i32, i32) {
    %c0_i32 = arith.constant 0 : i32
    %c0_i32_0 = arith.constant 0 : i32
    return %arg0, %c0_i32 : i32, i32
  }
  func.func @transform_3(%arg0: i32) -> (i32, i32) {
    %c0_i32 = arith.constant 0 : i32
    %c0_i32_0 = arith.constant 0 : i32
    return %arg0, %c0_i32 : i32, i32
  }
}

module attributes {stable_mosaic.version = 14 : i64} {
  func.func @_dense_body(%arg0: i32, %arg1: memref<512x384xf32, #tpu.memory_space<vmem>>, %arg2: memref<512x384xf32, #tpu.memory_space<vmem>>, %arg3: memref<512x1xf32, #tpu.memory_space<vmem>>, %arg4: memref<32x32xf32, #tpu.memory_space<vmem>>, %arg5: memref<32x64xf32, #tpu.memory_space<vmem>>, %arg6: memref<1x32xf32, #tpu.memory_space<vmem>>, %arg7: memref<1x32xf32, #tpu.memory_space<vmem>>, %arg8: memref<32x32xf32, #tpu.memory_space<vmem>>, %arg9: memref<32x64xf32, #tpu.memory_space<vmem>>, %arg10: memref<1x32xf32, #tpu.memory_space<vmem>>, %arg11: memref<1x32xf32, #tpu.memory_space<vmem>>, %arg12: memref<12x1xf32, #tpu.memory_space<vmem>>, %arg13: memref<12x32xf32, #tpu.memory_space<vmem>>, %arg14: memref<1x12xf32, #tpu.memory_space<vmem>>, %arg15: memref<512x12xf32, #tpu.memory_space<vmem>>) attributes {dimension_semantics = [#tpu.dimension_semantics<arbitrary>], iteration_bounds = array<i64: 200>, scalar_prefetch = 0 : i64, scratch_operands = 0 : i64, tpu.core_type = #tpu.core_type<tc>, window_params = [{transform_indices = @transform_0, window_bounds = array<i64: 512, 384>}, {transform_indices = @transform_1, window_bounds = array<i64: 512, 384>}, {transform_indices = @transform_2, window_bounds = array<i64: 512, 1>}, {pipeline_mode = #tpu.pipeline_mode<synchronous>, transform_indices = @transform_3, window_bounds = array<i64: 32, 32>}, {pipeline_mode = #tpu.pipeline_mode<synchronous>, transform_indices = @transform_4, window_bounds = array<i64: 32, 64>}, {pipeline_mode = #tpu.pipeline_mode<synchronous>, transform_indices = @transform_5, window_bounds = array<i64: 1, 32>}, {pipeline_mode = #tpu.pipeline_mode<synchronous>, transform_indices = @transform_6, window_bounds = array<i64: 1, 32>}, {pipeline_mode = #tpu.pipeline_mode<synchronous>, transform_indices = @transform_7, window_bounds = array<i64: 32, 32>}, {pipeline_mode = #tpu.pipeline_mode<synchronous>, transform_indices = @transform_8, window_bounds = array<i64: 32, 64>}, {pipeline_mode = #tpu.pipeline_mode<synchronous>, transform_indices = @transform_9, window_bounds = array<i64: 1, 32>}, {pipeline_mode = #tpu.pipeline_mode<synchronous>, transform_indices = @transform_10, window_bounds = array<i64: 1, 32>}, {pipeline_mode = #tpu.pipeline_mode<synchronous>, transform_indices = @transform_11, window_bounds = array<i64: 12, 1>}, {pipeline_mode = #tpu.pipeline_mode<synchronous>, transform_indices = @transform_12, window_bounds = array<i64: 12, 32>}, {pipeline_mode = #tpu.pipeline_mode<synchronous>, transform_indices = @transform_13, window_bounds = array<i64: 1, 12>}, {transform_indices = @transform_14, window_bounds = array<i64: 512, 12>}]} {
    %get3A = arith.constant 0 : index
    %get3A_0 = arith.constant 0 : index
    %get3A_1 = vector.load %arg1[%get3A, %get3A_0] : memref<512x384xf32, #tpu.memory_space<vmem>>, vector<512x384xf32>
    %get3A_2 = arith.constant 0 : index
    %get3A_3 = arith.constant 0 : index
    %get3A_4 = vector.load %arg2[%get3A_2, %get3A_3] : memref<512x384xf32, #tpu.memory_space<vmem>>, vector<512x384xf32>
    %add3A = arith.addf %get3A_1, %get3A_4 : vector<512x384xf32>
    %get3A_5 = arith.constant 0 : index
    %get3A_6 = arith.constant 0 : index
    %get3A_7 = vector.load %arg3[%get3A_5, %get3A_6] : memref<512x1xf32, #tpu.memory_space<vmem>>, vector<512x1xf32>
    %mul3A = vector.broadcast %get3A_7 : vector<512x1xf32> to vector<512x384xf32>
    %mul3A_8 = arith.mulf %add3A, %mul3A : vector<512x384xf32>
    %get3A_9 = arith.constant 0 : index
    %get3A_10 = arith.constant 0 : index
    %get3A_11 = vector.load %arg5[%get3A_9, %get3A_10] : memref<32x64xf32, #tpu.memory_space<vmem>>, vector<32x64xf32>
    %slice3A = vector.extract_strided_slice %get3A_11 {offsets = [0, 0], sizes = [32, 32], strides = [1, 1]} : vector<32x64xf32> to vector<32x32xf32>
    %get3A_12 = arith.constant 0 : index
    %get3A_13 = arith.constant 0 : index
    %get3A_14 = vector.load %arg9[%get3A_12, %get3A_13] : memref<32x64xf32, #tpu.memory_space<vmem>>, vector<32x64xf32>
    %slice3A_15 = vector.extract_strided_slice %get3A_14 {offsets = [0, 0], sizes = [32, 32], strides = [1, 1]} : vector<32x64xf32> to vector<32x32xf32>
    %get3A_16 = arith.constant 0 : index
    %get3A_17 = arith.constant 0 : index
    %get3A_18 = vector.load %arg4[%get3A_16, %get3A_17] : memref<32x32xf32, #tpu.memory_space<vmem>>, vector<32x32xf32>
    %dot_general3A = arith.constant dense<0.000000e+00> : vector<32x32xf32>
    %dot_general3A_19 = tpu.matmul %slice3A, %get3A_18, %dot_general3A {dimension_numbers = #tpu.dot_dimension_numbers<[1], [0], [0], [1], [0, 0, 1, 1], [], []>, precision = #tpu.contract_precision<fp32>, transpose_lhs_hint = false} : vector<32x32xf32>, vector<32x32xf32>, vector<32x32xf32> -> vector<32x32xf32>
    %get3A_20 = arith.constant 0 : index
    %get3A_21 = arith.constant 0 : index
    %get3A_22 = vector.load %arg8[%get3A_20, %get3A_21] : memref<32x32xf32, #tpu.memory_space<vmem>>, vector<32x32xf32>
    %dot_general3A_23 = arith.constant dense<0.000000e+00> : vector<32x32xf32>
    %dot_general3A_24 = tpu.matmul %slice3A_15, %get3A_22, %dot_general3A_23 {dimension_numbers = #tpu.dot_dimension_numbers<[1], [0], [0], [1], [0, 0, 1, 1], [], []>, precision = #tpu.contract_precision<fp32>, transpose_lhs_hint = false} : vector<32x32xf32>, vector<32x32xf32>, vector<32x32xf32> -> vector<32x32xf32>
    %get3A_25 = arith.constant 0 : index
    %get3A_26 = arith.constant 0 : index
    %get3A_27 = vector.load %arg6[%get3A_25, %get3A_26] : memref<1x32xf32, #tpu.memory_space<vmem>>, vector<1x32xf32>
    %dot_general3A_28 = arith.constant dense<0.000000e+00> : vector<1x32xf32>
    %dot_general3A_29 = tpu.matmul %get3A_27, %slice3A, %dot_general3A_28 {dimension_numbers = #tpu.dot_dimension_numbers<[1], [1], [0], [0], [0, 0, 1, 0], [], []>, precision = #tpu.contract_precision<fp32>, transpose_lhs_hint = false} : vector<1x32xf32>, vector<32x32xf32>, vector<1x32xf32> -> vector<1x32xf32>
    %get3A_30 = arith.constant 0 : index
    %get3A_31 = arith.constant 0 : index
    %get3A_32 = vector.load %arg7[%get3A_30, %get3A_31] : memref<1x32xf32, #tpu.memory_space<vmem>>, vector<1x32xf32>
    %add3A_33 = arith.addf %dot_general3A_29, %get3A_32 : vector<1x32xf32>
    %get3A_34 = arith.constant 0 : index
    %get3A_35 = arith.constant 0 : index
    %get3A_36 = vector.load %arg10[%get3A_34, %get3A_35] : memref<1x32xf32, #tpu.memory_space<vmem>>, vector<1x32xf32>
    %dot_general3A_37 = arith.constant dense<0.000000e+00> : vector<1x32xf32>
    %dot_general3A_38 = tpu.matmul %get3A_36, %slice3A_15, %dot_general3A_37 {dimension_numbers = #tpu.dot_dimension_numbers<[1], [1], [0], [0], [0, 0, 1, 0], [], []>, precision = #tpu.contract_precision<fp32>, transpose_lhs_hint = false} : vector<1x32xf32>, vector<32x32xf32>, vector<1x32xf32> -> vector<1x32xf32>
    %get3A_39 = arith.constant 0 : index
    %get3A_40 = arith.constant 0 : index
    %get3A_41 = vector.load %arg11[%get3A_39, %get3A_40] : memref<1x32xf32, #tpu.memory_space<vmem>>, vector<1x32xf32>
    %add3A_42 = arith.addf %dot_general3A_38, %get3A_41 : vector<1x32xf32>
    %get3A_43 = arith.constant 0 : index
    %get3A_44 = arith.constant 0 : index
    %get3A_45 = vector.load %arg12[%get3A_43, %get3A_44] : memref<12x1xf32, #tpu.memory_space<vmem>>, vector<12x1xf32>
    %reduce_max3A = vector.shape_cast %get3A_45 : vector<12x1xf32> to vector<1x12x1xf32>
    %reduce_max3A_46 = arith.constant dense<0xFF800000> : vector<1xf32>
    %reduce_max3A_47 = vector.multi_reduction <maximumf>, %reduce_max3A, %reduce_max3A_46 [1, 2] : vector<1x12x1xf32> to vector<1xf32>
    %reduce_max3A_48 = vector.shape_cast %reduce_max3A_47 : vector<1xf32> to vector<1x1x1xf32>
    %reduce_max3A_49 = vector.extract %reduce_max3A_48[0, 0, 0] : f32 from vector<1x1x1xf32>
    %sub3A = vector.broadcast %reduce_max3A_49 : f32 to vector<12x1xf32>
    %sub3A_50 = arith.subf %get3A_45, %sub3A : vector<12x1xf32>
    %exp3A = math.exp %sub3A_50 : vector<12x1xf32>
    %reduce_sum3A = vector.shape_cast %exp3A : vector<12x1xf32> to vector<1x12x1xf32>
    %reduce_sum3A_51 = arith.constant dense<0.000000e+00> : vector<1xf32>
    %reduce_sum3A_52 = vector.multi_reduction <add>, %reduce_sum3A, %reduce_sum3A_51 [1, 2] : vector<1x12x1xf32> to vector<1xf32>
    %reduce_sum3A_53 = vector.shape_cast %reduce_sum3A_52 : vector<1xf32> to vector<1x1x1xf32>
    %reduce_sum3A_54 = vector.extract %reduce_sum3A_53[0, 0, 0] : f32 from vector<1x1x1xf32>
    %div3A = vector.broadcast %reduce_sum3A_54 : f32 to vector<12x1xf32>
    %div3A_55 = arith.divf %exp3A, %div3A : vector<12x1xf32>
    %broadcast_in_dim3A = arith.constant 0.000000e+00 : f32
    %broadcast_in_dim3A_56 = vector.broadcast %broadcast_in_dim3A : f32 to vector<512x32xf32>
    %slice3A_57 = vector.extract_strided_slice %mul3A_8 {offsets = [0, 0], sizes = [512, 32], strides = [1, 1]} : vector<512x384xf32> to vector<512x32xf32>
    %dot_general3A_58 = arith.constant dense<0.000000e+00> : vector<512x32xf32>
    %dot_general3A_59 = tpu.matmul %slice3A_57, %dot_general3A_19, %dot_general3A_58 {dimension_numbers = #tpu.dot_dimension_numbers<[1], [1], [0], [0], [0, 0, 1, 0], [], []>, precision = #tpu.contract_precision<fp32>, transpose_lhs_hint = false} : vector<512x32xf32>, vector<32x32xf32>, vector<512x32xf32> -> vector<512x32xf32>
    %add3A_60 = vector.broadcast %add3A_33 : vector<1x32xf32> to vector<512x32xf32>
    %add3A_61 = arith.addf %dot_general3A_59, %add3A_60 : vector<512x32xf32>
    %neg3A = arith.constant 0.000000e+00 : f32
    %neg3A_62 = vector.broadcast %neg3A : f32 to vector<512x32xf32>
    %neg3A_63 = arith.subf %neg3A_62, %add3A_61 : vector<512x32xf32>
    %exp3A_64 = math.exp %neg3A_63 : vector<512x32xf32>
    %add3A_65 = arith.constant 1.000000e+00 : f32
    %add3A_66 = vector.broadcast %add3A_65 : f32 to vector<512x32xf32>
    %add3A_67 = arith.addf %add3A_66, %exp3A_64 : vector<512x32xf32>
    %div3A_68 = arith.constant 1.000000e+00 : f32
    %div3A_69 = vector.broadcast %div3A_68 : f32 to vector<512x32xf32>
    %div3A_70 = arith.divf %div3A_69, %add3A_67 : vector<512x32xf32>
    %dot_general3A_71 = arith.constant dense<0.000000e+00> : vector<512x32xf32>
    %dot_general3A_72 = tpu.matmul %slice3A_57, %dot_general3A_24, %dot_general3A_71 {dimension_numbers = #tpu.dot_dimension_numbers<[1], [1], [0], [0], [0, 0, 1, 0], [], []>, precision = #tpu.contract_precision<fp32>, transpose_lhs_hint = false} : vector<512x32xf32>, vector<32x32xf32>, vector<512x32xf32> -> vector<512x32xf32>
    %add3A_73 = vector.broadcast %add3A_42 : vector<1x32xf32> to vector<512x32xf32>
    %add3A_74 = arith.addf %dot_general3A_72, %add3A_73 : vector<512x32xf32>
    %tanh3A = math.tanh %add3A_74 : vector<512x32xf32>
    %slice3A_75 = vector.extract_strided_slice %div3A_55 {offsets = [0, 0], sizes = [1, 1], strides = [1, 1]} : vector<12x1xf32> to vector<1x1xf32>
    %sub3A_76 = arith.constant 1.000000e+00 : f32
    %sub3A_77 = vector.broadcast %sub3A_76 : f32 to vector<512x32xf32>
    %sub3A_78 = arith.subf %sub3A_77, %div3A_70 : vector<512x32xf32>
    %mul3A_79 = arith.mulf %sub3A_78, %tanh3A : vector<512x32xf32>
    %mul3A_80 = vector.broadcast %slice3A_75 : vector<1x1xf32> to vector<512x32xf32>
    %mul3A_81 = arith.mulf %mul3A_80, %mul3A_79 : vector<512x32xf32>
    %add3A_82 = arith.addf %broadcast_in_dim3A_56, %mul3A_81 : vector<512x32xf32>
    %slice3A_83 = vector.extract_strided_slice %mul3A_8 {offsets = [0, 32], sizes = [512, 32], strides = [1, 1]} : vector<512x384xf32> to vector<512x32xf32>
    %dot_general3A_84 = arith.constant dense<0.000000e+00> : vector<512x32xf32>
    %dot_general3A_85 = tpu.matmul %slice3A_83, %dot_general3A_19, %dot_general3A_84 {dimension_numbers = #tpu.dot_dimension_numbers<[1], [1], [0], [0], [0, 0, 1, 0], [], []>, precision = #tpu.contract_precision<fp32>, transpose_lhs_hint = false} : vector<512x32xf32>, vector<32x32xf32>, vector<512x32xf32> -> vector<512x32xf32>
    %add3A_86 = vector.broadcast %add3A_33 : vector<1x32xf32> to vector<512x32xf32>
    %add3A_87 = arith.addf %dot_general3A_85, %add3A_86 : vector<512x32xf32>
    %neg3A_88 = arith.constant 0.000000e+00 : f32
    %neg3A_89 = vector.broadcast %neg3A_88 : f32 to vector<512x32xf32>
    %neg3A_90 = arith.subf %neg3A_89, %add3A_87 : vector<512x32xf32>
    %exp3A_91 = math.exp %neg3A_90 : vector<512x32xf32>
    %add3A_92 = arith.constant 1.000000e+00 : f32
    %add3A_93 = vector.broadcast %add3A_92 : f32 to vector<512x32xf32>
    %add3A_94 = arith.addf %add3A_93, %exp3A_91 : vector<512x32xf32>
    %div3A_95 = arith.constant 1.000000e+00 : f32
    %div3A_96 = vector.broadcast %div3A_95 : f32 to vector<512x32xf32>
    %div3A_97 = arith.divf %div3A_96, %add3A_94 : vector<512x32xf32>
    %dot_general3A_98 = arith.constant dense<0.000000e+00> : vector<512x32xf32>
    %dot_general3A_99 = tpu.matmul %slice3A_83, %dot_general3A_24, %dot_general3A_98 {dimension_numbers = #tpu.dot_dimension_numbers<[1], [1], [0], [0], [0, 0, 1, 0], [], []>, precision = #tpu.contract_precision<fp32>, transpose_lhs_hint = false} : vector<512x32xf32>, vector<32x32xf32>, vector<512x32xf32> -> vector<512x32xf32>
    %add3A_100 = vector.broadcast %add3A_42 : vector<1x32xf32> to vector<512x32xf32>
    %add3A_101 = arith.addf %dot_general3A_99, %add3A_100 : vector<512x32xf32>
    %tanh3A_102 = math.tanh %add3A_101 : vector<512x32xf32>
    %slice3A_103 = vector.extract_strided_slice %div3A_55 {offsets = [1, 0], sizes = [1, 1], strides = [1, 1]} : vector<12x1xf32> to vector<1x1xf32>
    %sub3A_104 = arith.constant 1.000000e+00 : f32
    %sub3A_105 = vector.broadcast %sub3A_104 : f32 to vector<512x32xf32>
    %sub3A_106 = arith.subf %sub3A_105, %div3A_97 : vector<512x32xf32>
    %mul3A_107 = arith.mulf %sub3A_106, %tanh3A_102 : vector<512x32xf32>
    %mul3A_108 = vector.broadcast %slice3A_103 : vector<1x1xf32> to vector<512x32xf32>
    %mul3A_109 = arith.mulf %mul3A_108, %mul3A_107 : vector<512x32xf32>
    %add3A_110 = arith.addf %add3A_82, %mul3A_109 : vector<512x32xf32>
    %slice3A_111 = vector.extract_strided_slice %mul3A_8 {offsets = [0, 64], sizes = [512, 32], strides = [1, 1]} : vector<512x384xf32> to vector<512x32xf32>
    %dot_general3A_112 = arith.constant dense<0.000000e+00> : vector<512x32xf32>
    %dot_general3A_113 = tpu.matmul %slice3A_111, %dot_general3A_19, %dot_general3A_112 {dimension_numbers = #tpu.dot_dimension_numbers<[1], [1], [0], [0], [0, 0, 1, 0], [], []>, precision = #tpu.contract_precision<fp32>, transpose_lhs_hint = false} : vector<512x32xf32>, vector<32x32xf32>, vector<512x32xf32> -> vector<512x32xf32>
    %add3A_114 = vector.broadcast %add3A_33 : vector<1x32xf32> to vector<512x32xf32>
    %add3A_115 = arith.addf %dot_general3A_113, %add3A_114 : vector<512x32xf32>
    %neg3A_116 = arith.constant 0.000000e+00 : f32
    %neg3A_117 = vector.broadcast %neg3A_116 : f32 to vector<512x32xf32>
    %neg3A_118 = arith.subf %neg3A_117, %add3A_115 : vector<512x32xf32>
    %exp3A_119 = math.exp %neg3A_118 : vector<512x32xf32>
    %add3A_120 = arith.constant 1.000000e+00 : f32
    %add3A_121 = vector.broadcast %add3A_120 : f32 to vector<512x32xf32>
    %add3A_122 = arith.addf %add3A_121, %exp3A_119 : vector<512x32xf32>
    %div3A_123 = arith.constant 1.000000e+00 : f32
    %div3A_124 = vector.broadcast %div3A_123 : f32 to vector<512x32xf32>
    %div3A_125 = arith.divf %div3A_124, %add3A_122 : vector<512x32xf32>
    %dot_general3A_126 = arith.constant dense<0.000000e+00> : vector<512x32xf32>
    %dot_general3A_127 = tpu.matmul %slice3A_111, %dot_general3A_24, %dot_general3A_126 {dimension_numbers = #tpu.dot_dimension_numbers<[1], [1], [0], [0], [0, 0, 1, 0], [], []>, precision = #tpu.contract_precision<fp32>, transpose_lhs_hint = false} : vector<512x32xf32>, vector<32x32xf32>, vector<512x32xf32> -> vector<512x32xf32>
    %add3A_128 = vector.broadcast %add3A_42 : vector<1x32xf32> to vector<512x32xf32>
    %add3A_129 = arith.addf %dot_general3A_127, %add3A_128 : vector<512x32xf32>
    %tanh3A_130 = math.tanh %add3A_129 : vector<512x32xf32>
    %slice3A_131 = vector.extract_strided_slice %div3A_55 {offsets = [2, 0], sizes = [1, 1], strides = [1, 1]} : vector<12x1xf32> to vector<1x1xf32>
    %sub3A_132 = arith.constant 1.000000e+00 : f32
    %sub3A_133 = vector.broadcast %sub3A_132 : f32 to vector<512x32xf32>
    %sub3A_134 = arith.subf %sub3A_133, %div3A_125 : vector<512x32xf32>
    %mul3A_135 = arith.mulf %sub3A_134, %tanh3A_130 : vector<512x32xf32>
    %mul3A_136 = vector.broadcast %slice3A_131 : vector<1x1xf32> to vector<512x32xf32>
    %mul3A_137 = arith.mulf %mul3A_136, %mul3A_135 : vector<512x32xf32>
    %add3A_138 = arith.addf %add3A_110, %mul3A_137 : vector<512x32xf32>
    %slice3A_139 = vector.extract_strided_slice %mul3A_8 {offsets = [0, 96], sizes = [512, 32], strides = [1, 1]} : vector<512x384xf32> to vector<512x32xf32>
    %dot_general3A_140 = arith.constant dense<0.000000e+00> : vector<512x32xf32>
    %dot_general3A_141 = tpu.matmul %slice3A_139, %dot_general3A_19, %dot_general3A_140 {dimension_numbers = #tpu.dot_dimension_numbers<[1], [1], [0], [0], [0, 0, 1, 0], [], []>, precision = #tpu.contract_precision<fp32>, transpose_lhs_hint = false} : vector<512x32xf32>, vector<32x32xf32>, vector<512x32xf32> -> vector<512x32xf32>
    %add3A_142 = vector.broadcast %add3A_33 : vector<1x32xf32> to vector<512x32xf32>
    %add3A_143 = arith.addf %dot_general3A_141, %add3A_142 : vector<512x32xf32>
    %neg3A_144 = arith.constant 0.000000e+00 : f32
    %neg3A_145 = vector.broadcast %neg3A_144 : f32 to vector<512x32xf32>
    %neg3A_146 = arith.subf %neg3A_145, %add3A_143 : vector<512x32xf32>
    %exp3A_147 = math.exp %neg3A_146 : vector<512x32xf32>
    %add3A_148 = arith.constant 1.000000e+00 : f32
    %add3A_149 = vector.broadcast %add3A_148 : f32 to vector<512x32xf32>
    %add3A_150 = arith.addf %add3A_149, %exp3A_147 : vector<512x32xf32>
    %div3A_151 = arith.constant 1.000000e+00 : f32
    %div3A_152 = vector.broadcast %div3A_151 : f32 to vector<512x32xf32>
    %div3A_153 = arith.divf %div3A_152, %add3A_150 : vector<512x32xf32>
    %dot_general3A_154 = arith.constant dense<0.000000e+00> : vector<512x32xf32>
    %dot_general3A_155 = tpu.matmul %slice3A_139, %dot_general3A_24, %dot_general3A_154 {dimension_numbers = #tpu.dot_dimension_numbers<[1], [1], [0], [0], [0, 0, 1, 0], [], []>, precision = #tpu.contract_precision<fp32>, transpose_lhs_hint = false} : vector<512x32xf32>, vector<32x32xf32>, vector<512x32xf32> -> vector<512x32xf32>
    %add3A_156 = vector.broadcast %add3A_42 : vector<1x32xf32> to vector<512x32xf32>
    %add3A_157 = arith.addf %dot_general3A_155, %add3A_156 : vector<512x32xf32>
    %tanh3A_158 = math.tanh %add3A_157 : vector<512x32xf32>
    %slice3A_159 = vector.extract_strided_slice %div3A_55 {offsets = [3, 0], sizes = [1, 1], strides = [1, 1]} : vector<12x1xf32> to vector<1x1xf32>
    %sub3A_160 = arith.constant 1.000000e+00 : f32
    %sub3A_161 = vector.broadcast %sub3A_160 : f32 to vector<512x32xf32>
    %sub3A_162 = arith.subf %sub3A_161, %div3A_153 : vector<512x32xf32>
    %mul3A_163 = arith.mulf %sub3A_162, %tanh3A_158 : vector<512x32xf32>
    %mul3A_164 = vector.broadcast %slice3A_159 : vector<1x1xf32> to vector<512x32xf32>
    %mul3A_165 = arith.mulf %mul3A_164, %mul3A_163 : vector<512x32xf32>
    %add3A_166 = arith.addf %add3A_138, %mul3A_165 : vector<512x32xf32>
    %slice3A_167 = vector.extract_strided_slice %mul3A_8 {offsets = [0, 128], sizes = [512, 32], strides = [1, 1]} : vector<512x384xf32> to vector<512x32xf32>
    %dot_general3A_168 = arith.constant dense<0.000000e+00> : vector<512x32xf32>
    %dot_general3A_169 = tpu.matmul %slice3A_167, %dot_general3A_19, %dot_general3A_168 {dimension_numbers = #tpu.dot_dimension_numbers<[1], [1], [0], [0], [0, 0, 1, 0], [], []>, precision = #tpu.contract_precision<fp32>, transpose_lhs_hint = false} : vector<512x32xf32>, vector<32x32xf32>, vector<512x32xf32> -> vector<512x32xf32>
    %add3A_170 = vector.broadcast %add3A_33 : vector<1x32xf32> to vector<512x32xf32>
    %add3A_171 = arith.addf %dot_general3A_169, %add3A_170 : vector<512x32xf32>
    %neg3A_172 = arith.constant 0.000000e+00 : f32
    %neg3A_173 = vector.broadcast %neg3A_172 : f32 to vector<512x32xf32>
    %neg3A_174 = arith.subf %neg3A_173, %add3A_171 : vector<512x32xf32>
    %exp3A_175 = math.exp %neg3A_174 : vector<512x32xf32>
    %add3A_176 = arith.constant 1.000000e+00 : f32
    %add3A_177 = vector.broadcast %add3A_176 : f32 to vector<512x32xf32>
    %add3A_178 = arith.addf %add3A_177, %exp3A_175 : vector<512x32xf32>
    %div3A_179 = arith.constant 1.000000e+00 : f32
    %div3A_180 = vector.broadcast %div3A_179 : f32 to vector<512x32xf32>
    %div3A_181 = arith.divf %div3A_180, %add3A_178 : vector<512x32xf32>
    %dot_general3A_182 = arith.constant dense<0.000000e+00> : vector<512x32xf32>
    %dot_general3A_183 = tpu.matmul %slice3A_167, %dot_general3A_24, %dot_general3A_182 {dimension_numbers = #tpu.dot_dimension_numbers<[1], [1], [0], [0], [0, 0, 1, 0], [], []>, precision = #tpu.contract_precision<fp32>, transpose_lhs_hint = false} : vector<512x32xf32>, vector<32x32xf32>, vector<512x32xf32> -> vector<512x32xf32>
    %add3A_184 = vector.broadcast %add3A_42 : vector<1x32xf32> to vector<512x32xf32>
    %add3A_185 = arith.addf %dot_general3A_183, %add3A_184 : vector<512x32xf32>
    %tanh3A_186 = math.tanh %add3A_185 : vector<512x32xf32>
    %slice3A_187 = vector.extract_strided_slice %div3A_55 {offsets = [4, 0], sizes = [1, 1], strides = [1, 1]} : vector<12x1xf32> to vector<1x1xf32>
    %sub3A_188 = arith.constant 1.000000e+00 : f32
    %sub3A_189 = vector.broadcast %sub3A_188 : f32 to vector<512x32xf32>
    %sub3A_190 = arith.subf %sub3A_189, %div3A_181 : vector<512x32xf32>
    %mul3A_191 = arith.mulf %sub3A_190, %tanh3A_186 : vector<512x32xf32>
    %mul3A_192 = vector.broadcast %slice3A_187 : vector<1x1xf32> to vector<512x32xf32>
    %mul3A_193 = arith.mulf %mul3A_192, %mul3A_191 : vector<512x32xf32>
    %add3A_194 = arith.addf %add3A_166, %mul3A_193 : vector<512x32xf32>
    %slice3A_195 = vector.extract_strided_slice %mul3A_8 {offsets = [0, 160], sizes = [512, 32], strides = [1, 1]} : vector<512x384xf32> to vector<512x32xf32>
    %dot_general3A_196 = arith.constant dense<0.000000e+00> : vector<512x32xf32>
    %dot_general3A_197 = tpu.matmul %slice3A_195, %dot_general3A_19, %dot_general3A_196 {dimension_numbers = #tpu.dot_dimension_numbers<[1], [1], [0], [0], [0, 0, 1, 0], [], []>, precision = #tpu.contract_precision<fp32>, transpose_lhs_hint = false} : vector<512x32xf32>, vector<32x32xf32>, vector<512x32xf32> -> vector<512x32xf32>
    %add3A_198 = vector.broadcast %add3A_33 : vector<1x32xf32> to vector<512x32xf32>
    %add3A_199 = arith.addf %dot_general3A_197, %add3A_198 : vector<512x32xf32>
    %neg3A_200 = arith.constant 0.000000e+00 : f32
    %neg3A_201 = vector.broadcast %neg3A_200 : f32 to vector<512x32xf32>
    %neg3A_202 = arith.subf %neg3A_201, %add3A_199 : vector<512x32xf32>
    %exp3A_203 = math.exp %neg3A_202 : vector<512x32xf32>
    %add3A_204 = arith.constant 1.000000e+00 : f32
    %add3A_205 = vector.broadcast %add3A_204 : f32 to vector<512x32xf32>
    %add3A_206 = arith.addf %add3A_205, %exp3A_203 : vector<512x32xf32>
    %div3A_207 = arith.constant 1.000000e+00 : f32
    %div3A_208 = vector.broadcast %div3A_207 : f32 to vector<512x32xf32>
    %div3A_209 = arith.divf %div3A_208, %add3A_206 : vector<512x32xf32>
    %dot_general3A_210 = arith.constant dense<0.000000e+00> : vector<512x32xf32>
    %dot_general3A_211 = tpu.matmul %slice3A_195, %dot_general3A_24, %dot_general3A_210 {dimension_numbers = #tpu.dot_dimension_numbers<[1], [1], [0], [0], [0, 0, 1, 0], [], []>, precision = #tpu.contract_precision<fp32>, transpose_lhs_hint = false} : vector<512x32xf32>, vector<32x32xf32>, vector<512x32xf32> -> vector<512x32xf32>
    %add3A_212 = vector.broadcast %add3A_42 : vector<1x32xf32> to vector<512x32xf32>
    %add3A_213 = arith.addf %dot_general3A_211, %add3A_212 : vector<512x32xf32>
    %tanh3A_214 = math.tanh %add3A_213 : vector<512x32xf32>
    %slice3A_215 = vector.extract_strided_slice %div3A_55 {offsets = [5, 0], sizes = [1, 1], strides = [1, 1]} : vector<12x1xf32> to vector<1x1xf32>
    %sub3A_216 = arith.constant 1.000000e+00 : f32
    %sub3A_217 = vector.broadcast %sub3A_216 : f32 to vector<512x32xf32>
    %sub3A_218 = arith.subf %sub3A_217, %div3A_209 : vector<512x32xf32>
    %mul3A_219 = arith.mulf %sub3A_218, %tanh3A_214 : vector<512x32xf32>
    %mul3A_220 = vector.broadcast %slice3A_215 : vector<1x1xf32> to vector<512x32xf32>
    %mul3A_221 = arith.mulf %mul3A_220, %mul3A_219 : vector<512x32xf32>
    %add3A_222 = arith.addf %add3A_194, %mul3A_221 : vector<512x32xf32>
    %slice3A_223 = vector.extract_strided_slice %mul3A_8 {offsets = [0, 192], sizes = [512, 32], strides = [1, 1]} : vector<512x384xf32> to vector<512x32xf32>
    %dot_general3A_224 = arith.constant dense<0.000000e+00> : vector<512x32xf32>
    %dot_general3A_225 = tpu.matmul %slice3A_223, %dot_general3A_19, %dot_general3A_224 {dimension_numbers = #tpu.dot_dimension_numbers<[1], [1], [0], [0], [0, 0, 1, 0], [], []>, precision = #tpu.contract_precision<fp32>, transpose_lhs_hint = false} : vector<512x32xf32>, vector<32x32xf32>, vector<512x32xf32> -> vector<512x32xf32>
    %add3A_226 = vector.broadcast %add3A_33 : vector<1x32xf32> to vector<512x32xf32>
    %add3A_227 = arith.addf %dot_general3A_225, %add3A_226 : vector<512x32xf32>
    %neg3A_228 = arith.constant 0.000000e+00 : f32
    %neg3A_229 = vector.broadcast %neg3A_228 : f32 to vector<512x32xf32>
    %neg3A_230 = arith.subf %neg3A_229, %add3A_227 : vector<512x32xf32>
    %exp3A_231 = math.exp %neg3A_230 : vector<512x32xf32>
    %add3A_232 = arith.constant 1.000000e+00 : f32
    %add3A_233 = vector.broadcast %add3A_232 : f32 to vector<512x32xf32>
    %add3A_234 = arith.addf %add3A_233, %exp3A_231 : vector<512x32xf32>
    %div3A_235 = arith.constant 1.000000e+00 : f32
    %div3A_236 = vector.broadcast %div3A_235 : f32 to vector<512x32xf32>
    %div3A_237 = arith.divf %div3A_236, %add3A_234 : vector<512x32xf32>
    %dot_general3A_238 = arith.constant dense<0.000000e+00> : vector<512x32xf32>
    %dot_general3A_239 = tpu.matmul %slice3A_223, %dot_general3A_24, %dot_general3A_238 {dimension_numbers = #tpu.dot_dimension_numbers<[1], [1], [0], [0], [0, 0, 1, 0], [], []>, precision = #tpu.contract_precision<fp32>, transpose_lhs_hint = false} : vector<512x32xf32>, vector<32x32xf32>, vector<512x32xf32> -> vector<512x32xf32>
    %add3A_240 = vector.broadcast %add3A_42 : vector<1x32xf32> to vector<512x32xf32>
    %add3A_241 = arith.addf %dot_general3A_239, %add3A_240 : vector<512x32xf32>
    %tanh3A_242 = math.tanh %add3A_241 : vector<512x32xf32>
    %slice3A_243 = vector.extract_strided_slice %div3A_55 {offsets = [6, 0], sizes = [1, 1], strides = [1, 1]} : vector<12x1xf32> to vector<1x1xf32>
    %sub3A_244 = arith.constant 1.000000e+00 : f32
    %sub3A_245 = vector.broadcast %sub3A_244 : f32 to vector<512x32xf32>
    %sub3A_246 = arith.subf %sub3A_245, %div3A_237 : vector<512x32xf32>
    %mul3A_247 = arith.mulf %sub3A_246, %tanh3A_242 : vector<512x32xf32>
    %mul3A_248 = vector.broadcast %slice3A_243 : vector<1x1xf32> to vector<512x32xf32>
    %mul3A_249 = arith.mulf %mul3A_248, %mul3A_247 : vector<512x32xf32>
    %add3A_250 = arith.addf %add3A_222, %mul3A_249 : vector<512x32xf32>
    %slice3A_251 = vector.extract_strided_slice %mul3A_8 {offsets = [0, 224], sizes = [512, 32], strides = [1, 1]} : vector<512x384xf32> to vector<512x32xf32>
    %dot_general3A_252 = arith.constant dense<0.000000e+00> : vector<512x32xf32>
    %dot_general3A_253 = tpu.matmul %slice3A_251, %dot_general3A_19, %dot_general3A_252 {dimension_numbers = #tpu.dot_dimension_numbers<[1], [1], [0], [0], [0, 0, 1, 0], [], []>, precision = #tpu.contract_precision<fp32>, transpose_lhs_hint = false} : vector<512x32xf32>, vector<32x32xf32>, vector<512x32xf32> -> vector<512x32xf32>
    %add3A_254 = vector.broadcast %add3A_33 : vector<1x32xf32> to vector<512x32xf32>
    %add3A_255 = arith.addf %dot_general3A_253, %add3A_254 : vector<512x32xf32>
    %neg3A_256 = arith.constant 0.000000e+00 : f32
    %neg3A_257 = vector.broadcast %neg3A_256 : f32 to vector<512x32xf32>
    %neg3A_258 = arith.subf %neg3A_257, %add3A_255 : vector<512x32xf32>
    %exp3A_259 = math.exp %neg3A_258 : vector<512x32xf32>
    %add3A_260 = arith.constant 1.000000e+00 : f32
    %add3A_261 = vector.broadcast %add3A_260 : f32 to vector<512x32xf32>
    %add3A_262 = arith.addf %add3A_261, %exp3A_259 : vector<512x32xf32>
    %div3A_263 = arith.constant 1.000000e+00 : f32
    %div3A_264 = vector.broadcast %div3A_263 : f32 to vector<512x32xf32>
    %div3A_265 = arith.divf %div3A_264, %add3A_262 : vector<512x32xf32>
    %dot_general3A_266 = arith.constant dense<0.000000e+00> : vector<512x32xf32>
    %dot_general3A_267 = tpu.matmul %slice3A_251, %dot_general3A_24, %dot_general3A_266 {dimension_numbers = #tpu.dot_dimension_numbers<[1], [1], [0], [0], [0, 0, 1, 0], [], []>, precision = #tpu.contract_precision<fp32>, transpose_lhs_hint = false} : vector<512x32xf32>, vector<32x32xf32>, vector<512x32xf32> -> vector<512x32xf32>
    %add3A_268 = vector.broadcast %add3A_42 : vector<1x32xf32> to vector<512x32xf32>
    %add3A_269 = arith.addf %dot_general3A_267, %add3A_268 : vector<512x32xf32>
    %tanh3A_270 = math.tanh %add3A_269 : vector<512x32xf32>
    %slice3A_271 = vector.extract_strided_slice %div3A_55 {offsets = [7, 0], sizes = [1, 1], strides = [1, 1]} : vector<12x1xf32> to vector<1x1xf32>
    %sub3A_272 = arith.constant 1.000000e+00 : f32
    %sub3A_273 = vector.broadcast %sub3A_272 : f32 to vector<512x32xf32>
    %sub3A_274 = arith.subf %sub3A_273, %div3A_265 : vector<512x32xf32>
    %mul3A_275 = arith.mulf %sub3A_274, %tanh3A_270 : vector<512x32xf32>
    %mul3A_276 = vector.broadcast %slice3A_271 : vector<1x1xf32> to vector<512x32xf32>
    %mul3A_277 = arith.mulf %mul3A_276, %mul3A_275 : vector<512x32xf32>
    %add3A_278 = arith.addf %add3A_250, %mul3A_277 : vector<512x32xf32>
    %slice3A_279 = vector.extract_strided_slice %mul3A_8 {offsets = [0, 256], sizes = [512, 32], strides = [1, 1]} : vector<512x384xf32> to vector<512x32xf32>
    %dot_general3A_280 = arith.constant dense<0.000000e+00> : vector<512x32xf32>
    %dot_general3A_281 = tpu.matmul %slice3A_279, %dot_general3A_19, %dot_general3A_280 {dimension_numbers = #tpu.dot_dimension_numbers<[1], [1], [0], [0], [0, 0, 1, 0], [], []>, precision = #tpu.contract_precision<fp32>, transpose_lhs_hint = false} : vector<512x32xf32>, vector<32x32xf32>, vector<512x32xf32> -> vector<512x32xf32>
    %add3A_282 = vector.broadcast %add3A_33 : vector<1x32xf32> to vector<512x32xf32>
    %add3A_283 = arith.addf %dot_general3A_281, %add3A_282 : vector<512x32xf32>
    %neg3A_284 = arith.constant 0.000000e+00 : f32
    %neg3A_285 = vector.broadcast %neg3A_284 : f32 to vector<512x32xf32>
    %neg3A_286 = arith.subf %neg3A_285, %add3A_283 : vector<512x32xf32>
    %exp3A_287 = math.exp %neg3A_286 : vector<512x32xf32>
    %add3A_288 = arith.constant 1.000000e+00 : f32
    %add3A_289 = vector.broadcast %add3A_288 : f32 to vector<512x32xf32>
    %add3A_290 = arith.addf %add3A_289, %exp3A_287 : vector<512x32xf32>
    %div3A_291 = arith.constant 1.000000e+00 : f32
    %div3A_292 = vector.broadcast %div3A_291 : f32 to vector<512x32xf32>
    %div3A_293 = arith.divf %div3A_292, %add3A_290 : vector<512x32xf32>
    %dot_general3A_294 = arith.constant dense<0.000000e+00> : vector<512x32xf32>
    %dot_general3A_295 = tpu.matmul %slice3A_279, %dot_general3A_24, %dot_general3A_294 {dimension_numbers = #tpu.dot_dimension_numbers<[1], [1], [0], [0], [0, 0, 1, 0], [], []>, precision = #tpu.contract_precision<fp32>, transpose_lhs_hint = false} : vector<512x32xf32>, vector<32x32xf32>, vector<512x32xf32> -> vector<512x32xf32>
    %add3A_296 = vector.broadcast %add3A_42 : vector<1x32xf32> to vector<512x32xf32>
    %add3A_297 = arith.addf %dot_general3A_295, %add3A_296 : vector<512x32xf32>
    %tanh3A_298 = math.tanh %add3A_297 : vector<512x32xf32>
    %slice3A_299 = vector.extract_strided_slice %div3A_55 {offsets = [8, 0], sizes = [1, 1], strides = [1, 1]} : vector<12x1xf32> to vector<1x1xf32>
    %sub3A_300 = arith.constant 1.000000e+00 : f32
    %sub3A_301 = vector.broadcast %sub3A_300 : f32 to vector<512x32xf32>
    %sub3A_302 = arith.subf %sub3A_301, %div3A_293 : vector<512x32xf32>
    %mul3A_303 = arith.mulf %sub3A_302, %tanh3A_298 : vector<512x32xf32>
    %mul3A_304 = vector.broadcast %slice3A_299 : vector<1x1xf32> to vector<512x32xf32>
    %mul3A_305 = arith.mulf %mul3A_304, %mul3A_303 : vector<512x32xf32>
    %add3A_306 = arith.addf %add3A_278, %mul3A_305 : vector<512x32xf32>
    %slice3A_307 = vector.extract_strided_slice %mul3A_8 {offsets = [0, 288], sizes = [512, 32], strides = [1, 1]} : vector<512x384xf32> to vector<512x32xf32>
    %dot_general3A_308 = arith.constant dense<0.000000e+00> : vector<512x32xf32>
    %dot_general3A_309 = tpu.matmul %slice3A_307, %dot_general3A_19, %dot_general3A_308 {dimension_numbers = #tpu.dot_dimension_numbers<[1], [1], [0], [0], [0, 0, 1, 0], [], []>, precision = #tpu.contract_precision<fp32>, transpose_lhs_hint = false} : vector<512x32xf32>, vector<32x32xf32>, vector<512x32xf32> -> vector<512x32xf32>
    %add3A_310 = vector.broadcast %add3A_33 : vector<1x32xf32> to vector<512x32xf32>
    %add3A_311 = arith.addf %dot_general3A_309, %add3A_310 : vector<512x32xf32>
    %neg3A_312 = arith.constant 0.000000e+00 : f32
    %neg3A_313 = vector.broadcast %neg3A_312 : f32 to vector<512x32xf32>
    %neg3A_314 = arith.subf %neg3A_313, %add3A_311 : vector<512x32xf32>
    %exp3A_315 = math.exp %neg3A_314 : vector<512x32xf32>
    %add3A_316 = arith.constant 1.000000e+00 : f32
    %add3A_317 = vector.broadcast %add3A_316 : f32 to vector<512x32xf32>
    %add3A_318 = arith.addf %add3A_317, %exp3A_315 : vector<512x32xf32>
    %div3A_319 = arith.constant 1.000000e+00 : f32
    %div3A_320 = vector.broadcast %div3A_319 : f32 to vector<512x32xf32>
    %div3A_321 = arith.divf %div3A_320, %add3A_318 : vector<512x32xf32>
    %dot_general3A_322 = arith.constant dense<0.000000e+00> : vector<512x32xf32>
    %dot_general3A_323 = tpu.matmul %slice3A_307, %dot_general3A_24, %dot_general3A_322 {dimension_numbers = #tpu.dot_dimension_numbers<[1], [1], [0], [0], [0, 0, 1, 0], [], []>, precision = #tpu.contract_precision<fp32>, transpose_lhs_hint = false} : vector<512x32xf32>, vector<32x32xf32>, vector<512x32xf32> -> vector<512x32xf32>
    %add3A_324 = vector.broadcast %add3A_42 : vector<1x32xf32> to vector<512x32xf32>
    %add3A_325 = arith.addf %dot_general3A_323, %add3A_324 : vector<512x32xf32>
    %tanh3A_326 = math.tanh %add3A_325 : vector<512x32xf32>
    %slice3A_327 = vector.extract_strided_slice %div3A_55 {offsets = [9, 0], sizes = [1, 1], strides = [1, 1]} : vector<12x1xf32> to vector<1x1xf32>
    %sub3A_328 = arith.constant 1.000000e+00 : f32
    %sub3A_329 = vector.broadcast %sub3A_328 : f32 to vector<512x32xf32>
    %sub3A_330 = arith.subf %sub3A_329, %div3A_321 : vector<512x32xf32>
    %mul3A_331 = arith.mulf %sub3A_330, %tanh3A_326 : vector<512x32xf32>
    %mul3A_332 = vector.broadcast %slice3A_327 : vector<1x1xf32> to vector<512x32xf32>
    %mul3A_333 = arith.mulf %mul3A_332, %mul3A_331 : vector<512x32xf32>
    %add3A_334 = arith.addf %add3A_306, %mul3A_333 : vector<512x32xf32>
    %slice3A_335 = vector.extract_strided_slice %mul3A_8 {offsets = [0, 320], sizes = [512, 32], strides = [1, 1]} : vector<512x384xf32> to vector<512x32xf32>
    %dot_general3A_336 = arith.constant dense<0.000000e+00> : vector<512x32xf32>
    %dot_general3A_337 = tpu.matmul %slice3A_335, %dot_general3A_19, %dot_general3A_336 {dimension_numbers = #tpu.dot_dimension_numbers<[1], [1], [0], [0], [0, 0, 1, 0], [], []>, precision = #tpu.contract_precision<fp32>, transpose_lhs_hint = false} : vector<512x32xf32>, vector<32x32xf32>, vector<512x32xf32> -> vector<512x32xf32>
    %add3A_338 = vector.broadcast %add3A_33 : vector<1x32xf32> to vector<512x32xf32>
    %add3A_339 = arith.addf %dot_general3A_337, %add3A_338 : vector<512x32xf32>
    %neg3A_340 = arith.constant 0.000000e+00 : f32
    %neg3A_341 = vector.broadcast %neg3A_340 : f32 to vector<512x32xf32>
    %neg3A_342 = arith.subf %neg3A_341, %add3A_339 : vector<512x32xf32>
    %exp3A_343 = math.exp %neg3A_342 : vector<512x32xf32>
    %add3A_344 = arith.constant 1.000000e+00 : f32
    %add3A_345 = vector.broadcast %add3A_344 : f32 to vector<512x32xf32>
    %add3A_346 = arith.addf %add3A_345, %exp3A_343 : vector<512x32xf32>
    %div3A_347 = arith.constant 1.000000e+00 : f32
    %div3A_348 = vector.broadcast %div3A_347 : f32 to vector<512x32xf32>
    %div3A_349 = arith.divf %div3A_348, %add3A_346 : vector<512x32xf32>
    %dot_general3A_350 = arith.constant dense<0.000000e+00> : vector<512x32xf32>
    %dot_general3A_351 = tpu.matmul %slice3A_335, %dot_general3A_24, %dot_general3A_350 {dimension_numbers = #tpu.dot_dimension_numbers<[1], [1], [0], [0], [0, 0, 1, 0], [], []>, precision = #tpu.contract_precision<fp32>, transpose_lhs_hint = false} : vector<512x32xf32>, vector<32x32xf32>, vector<512x32xf32> -> vector<512x32xf32>
    %add3A_352 = vector.broadcast %add3A_42 : vector<1x32xf32> to vector<512x32xf32>
    %add3A_353 = arith.addf %dot_general3A_351, %add3A_352 : vector<512x32xf32>
    %tanh3A_354 = math.tanh %add3A_353 : vector<512x32xf32>
    %slice3A_355 = vector.extract_strided_slice %div3A_55 {offsets = [10, 0], sizes = [1, 1], strides = [1, 1]} : vector<12x1xf32> to vector<1x1xf32>
    %sub3A_356 = arith.constant 1.000000e+00 : f32
    %sub3A_357 = vector.broadcast %sub3A_356 : f32 to vector<512x32xf32>
    %sub3A_358 = arith.subf %sub3A_357, %div3A_349 : vector<512x32xf32>
    %mul3A_359 = arith.mulf %sub3A_358, %tanh3A_354 : vector<512x32xf32>
    %mul3A_360 = vector.broadcast %slice3A_355 : vector<1x1xf32> to vector<512x32xf32>
    %mul3A_361 = arith.mulf %mul3A_360, %mul3A_359 : vector<512x32xf32>
    %add3A_362 = arith.addf %add3A_334, %mul3A_361 : vector<512x32xf32>
    %slice3A_363 = vector.extract_strided_slice %mul3A_8 {offsets = [0, 352], sizes = [512, 32], strides = [1, 1]} : vector<512x384xf32> to vector<512x32xf32>
    %dot_general3A_364 = arith.constant dense<0.000000e+00> : vector<512x32xf32>
    %dot_general3A_365 = tpu.matmul %slice3A_363, %dot_general3A_19, %dot_general3A_364 {dimension_numbers = #tpu.dot_dimension_numbers<[1], [1], [0], [0], [0, 0, 1, 0], [], []>, precision = #tpu.contract_precision<fp32>, transpose_lhs_hint = false} : vector<512x32xf32>, vector<32x32xf32>, vector<512x32xf32> -> vector<512x32xf32>
    %add3A_366 = vector.broadcast %add3A_33 : vector<1x32xf32> to vector<512x32xf32>
    %add3A_367 = arith.addf %dot_general3A_365, %add3A_366 : vector<512x32xf32>
    %neg3A_368 = arith.constant 0.000000e+00 : f32
    %neg3A_369 = vector.broadcast %neg3A_368 : f32 to vector<512x32xf32>
    %neg3A_370 = arith.subf %neg3A_369, %add3A_367 : vector<512x32xf32>
    %exp3A_371 = math.exp %neg3A_370 : vector<512x32xf32>
    %add3A_372 = arith.constant 1.000000e+00 : f32
    %add3A_373 = vector.broadcast %add3A_372 : f32 to vector<512x32xf32>
    %add3A_374 = arith.addf %add3A_373, %exp3A_371 : vector<512x32xf32>
    %div3A_375 = arith.constant 1.000000e+00 : f32
    %div3A_376 = vector.broadcast %div3A_375 : f32 to vector<512x32xf32>
    %div3A_377 = arith.divf %div3A_376, %add3A_374 : vector<512x32xf32>
    %dot_general3A_378 = arith.constant dense<0.000000e+00> : vector<512x32xf32>
    %dot_general3A_379 = tpu.matmul %slice3A_363, %dot_general3A_24, %dot_general3A_378 {dimension_numbers = #tpu.dot_dimension_numbers<[1], [1], [0], [0], [0, 0, 1, 0], [], []>, precision = #tpu.contract_precision<fp32>, transpose_lhs_hint = false} : vector<512x32xf32>, vector<32x32xf32>, vector<512x32xf32> -> vector<512x32xf32>
    %add3A_380 = vector.broadcast %add3A_42 : vector<1x32xf32> to vector<512x32xf32>
    %add3A_381 = arith.addf %dot_general3A_379, %add3A_380 : vector<512x32xf32>
    %tanh3A_382 = math.tanh %add3A_381 : vector<512x32xf32>
    %slice3A_383 = vector.extract_strided_slice %div3A_55 {offsets = [11, 0], sizes = [1, 1], strides = [1, 1]} : vector<12x1xf32> to vector<1x1xf32>
    %sub3A_384 = arith.constant 1.000000e+00 : f32
    %sub3A_385 = vector.broadcast %sub3A_384 : f32 to vector<512x32xf32>
    %sub3A_386 = arith.subf %sub3A_385, %div3A_377 : vector<512x32xf32>
    %mul3A_387 = arith.mulf %sub3A_386, %tanh3A_382 : vector<512x32xf32>
    %mul3A_388 = vector.broadcast %slice3A_383 : vector<1x1xf32> to vector<512x32xf32>
    %mul3A_389 = arith.mulf %mul3A_388, %mul3A_387 : vector<512x32xf32>
    %add3A_390 = arith.addf %add3A_362, %mul3A_389 : vector<512x32xf32>
    %max3A = arith.constant 0.000000e+00 : f32
    %max3A_391 = vector.broadcast %max3A : f32 to vector<512x32xf32>
    %max3A_392 = arith.maximumf %add3A_390, %max3A_391 : vector<512x32xf32>
    %get3A_393 = arith.constant 0 : index
    %get3A_394 = arith.constant 0 : index
    %get3A_395 = vector.load %arg13[%get3A_393, %get3A_394] : memref<12x32xf32, #tpu.memory_space<vmem>>, vector<12x32xf32>
    %dot_general3A_396 = arith.constant dense<0.000000e+00> : vector<512x12xf32>
    %dot_general3A_397 = tpu.matmul %max3A_392, %get3A_395, %dot_general3A_396 {dimension_numbers = #tpu.dot_dimension_numbers<[1], [1], [0], [0], [0, 0, 1, 0], [], []>, precision = #tpu.contract_precision<fp32>, transpose_lhs_hint = false} : vector<512x32xf32>, vector<12x32xf32>, vector<512x12xf32> -> vector<512x12xf32>
    %get3A_398 = arith.constant 0 : index
    %get3A_399 = arith.constant 0 : index
    %get3A_400 = vector.load %arg14[%get3A_398, %get3A_399] : memref<1x12xf32, #tpu.memory_space<vmem>>, vector<1x12xf32>
    %add3A_401 = vector.broadcast %get3A_400 : vector<1x12xf32> to vector<512x12xf32>
    %add3A_402 = arith.addf %dot_general3A_397, %add3A_401 : vector<512x12xf32>
    %swap3A = arith.constant 0 : index
    %swap3A_403 = arith.constant 0 : index
    %swap3A_404 = vector.load %arg15[%swap3A, %swap3A_403] : memref<512x12xf32, #tpu.memory_space<vmem>>, vector<512x12xf32>
    tpu.vector_store %arg15[%swap3A, %swap3A_403], %add3A_402 {strides = array<i32>} : memref<512x12xf32, #tpu.memory_space<vmem>>, vector<512x12xf32>,
    return
  }
  func.func @transform_0(%arg0: i32) -> (i32, i32) {
    %c0_i32 = arith.constant 0 : i32
    %c0_i32_0 = arith.constant 0 : i32
    return %arg0, %c0_i32 : i32, i32
  }
  func.func @transform_1(%arg0: i32) -> (i32, i32) {
    %c0_i32 = arith.constant 0 : i32
    %c0_i32_0 = arith.constant 0 : i32
    return %arg0, %c0_i32 : i32, i32
  }
  func.func @transform_2(%arg0: i32) -> (i32, i32) {
    %c0_i32 = arith.constant 0 : i32
    %c0_i32_0 = arith.constant 0 : i32
    return %arg0, %c0_i32 : i32, i32
  }
  func.func @transform_3(%arg0: i32) -> (i32, i32) {
    %c0_i32 = arith.constant 0 : i32
    %c0_i32_0 = arith.constant 0 : i32
    %c0_i32_1 = arith.constant 0 : i32
    return %c0_i32, %c0_i32_0 : i32, i32
  }
  func.func @transform_4(%arg0: i32) -> (i32, i32) {
    %c0_i32 = arith.constant 0 : i32
    %c0_i32_0 = arith.constant 0 : i32
    %c0_i32_1 = arith.constant 0 : i32
    return %c0_i32, %c0_i32_0 : i32, i32
  }
  func.func @transform_5(%arg0: i32) -> (i32, i32) {
    %c0_i32 = arith.constant 0 : i32
    %c0_i32_0 = arith.constant 0 : i32
    %c0_i32_1 = arith.constant 0 : i32
    return %c0_i32, %c0_i32_0 : i32, i32
  }
  func.func @transform_6(%arg0: i32) -> (i32, i32) {
    %c0_i32 = arith.constant 0 : i32
    %c0_i32_0 = arith.constant 0 : i32
    %c0_i32_1 = arith.constant 0 : i32
    return %c0_i32, %c0_i32_0 : i32, i32
  }
  func.func @transform_7(%arg0: i32) -> (i32, i32) {
    %c0_i32 = arith.constant 0 : i32
    %c0_i32_0 = arith.constant 0 : i32
    %c0_i32_1 = arith.constant 0 : i32
    return %c0_i32, %c0_i32_0 : i32, i32
  }
  func.func @transform_8(%arg0: i32) -> (i32, i32) {
    %c0_i32 = arith.constant 0 : i32
    %c0_i32_0 = arith.constant 0 : i32
    %c0_i32_1 = arith.constant 0 : i32
    return %c0_i32, %c0_i32_0 : i32, i32
  }
  func.func @transform_9(%arg0: i32) -> (i32, i32) {
    %c0_i32 = arith.constant 0 : i32
    %c0_i32_0 = arith.constant 0 : i32
    %c0_i32_1 = arith.constant 0 : i32
    return %c0_i32, %c0_i32_0 : i32, i32
  }
  func.func @transform_10(%arg0: i32) -> (i32, i32) {
    %c0_i32 = arith.constant 0 : i32
    %c0_i32_0 = arith.constant 0 : i32
    %c0_i32_1 = arith.constant 0 : i32
    return %c0_i32, %c0_i32_0 : i32, i32
  }
  func.func @transform_11(%arg0: i32) -> (i32, i32) {
    %c0_i32 = arith.constant 0 : i32
    %c0_i32_0 = arith.constant 0 : i32
    %c0_i32_1 = arith.constant 0 : i32
    return %c0_i32, %c0_i32_0 : i32, i32
  }
  func.func @transform_12(%arg0: i32) -> (i32, i32) {
    %c0_i32 = arith.constant 0 : i32
    %c0_i32_0 = arith.constant 0 : i32
    %c0_i32_1 = arith.constant 0 : i32
    return %c0_i32, %c0_i32_0 : i32, i32
  }
  func.func @transform_13(%arg0: i32) -> (i32, i32) {
    %c0_i32 = arith.constant 0 : i32
    %c0_i32_0 = arith.constant 0 : i32
    %c0_i32_1 = arith.constant 0 : i32
    return %c0_i32, %c0_i32_0 : i32, i32
  }
  func.func @transform_14(%arg0: i32) -> (i32, i32) {
    %c0_i32 = arith.constant 0 : i32
    %c0_i32_0 = arith.constant 0 : i32
    return %arg0, %c0_i32 : i32, i32
  }
}

</mosaic_0001>

<sc_bundles>
// kernel: kernel.6.cloned.1.call-start
scs
__scs_entry_jumppad:
0x0: {  	(pc) =	sbr.rel $0x88, $3  }
0x1: {  	(tag) =	ssettag $0x0;
	lr =	simm.s32 $0x1  }
0x2: {  	[smem:$0x3F94] =	sst lr;
	_ =	strace $0xD0000000  }
0x3: {  	_ = 	snop  }
0x4: {  	_ = 	snop  }
0x5: {  	_ = 	snop  }
0x6: {  	_ = 	snop  }
0x7: {  	_ = 	snop  }
__scs_overlays_trampoline_lowered:
0x8: {  	[smem:$0x3FA3] =	sst s0  }
0x9: {  	[smem:$0x3FA4] =	sst s1  }
0xa: {  	[smem:$0x3FA5] =	sst s2  }
0xb: {  	[smem:$0x3FA6] =	sst s3  }
0xc: {  	[smem:$0x3FA7] =	sst s4  }
0xd: {  	[smem:$0x3FA8] =	sst s5  }
0xe: {  	[smem:$0x3FA9] =	sst s6  }
0xf: {  	[smem:$0x3FAA] =	sst s7  }
0x10: {  	[smem:$0x3FAB] =	sst s8  }
0x11: {  	[smem:$0x3FAC] =	sst s9;
	s0 =	simm.s32 @!p0 $0x0  }
0x12: {  	s1 =	sld [smem:$0x3F92];
	s0 =	simm.s32 @p0 $0x1  }
0x13: {  	[smem:$0x3FAD] =	sst s0;
	s0 =	simm.s32 @!p1 $0x0  }
0x14: {  	s2 =	sld [smem:$0x3F91];
	s0 =	simm.s32 @p1 $0x1  }
0x15: {  	[smem:$0x3FAE] =	sst s0;
	s0 =	simm.s32 @!p2 $0x0  }
0x16: {  	s3 =	sld [smem:$0x3FDB];
	s0 =	simm.s32 @p2 $0x1  }
0x17: {  	s4 =	simm.s32 $0x1BF5;
	[smem:$0x3FB0] =	sst s0  }
0x18: {  	s0 =	sld [smem:$0x3F93];
	_ =	swait.ge [sflag:s4], $0x0  }
0x19: {  	s7 =	sld [smem:$0x3F94]  }
0x1a: {  	s8 =	sadd.s32 $0xFFFFE003, lr  }
0x1b: {  	s9 =	sadd.s32 $0xFFFFFEF7, lr;
	s5 =	simm.s32 $0xFFFFFFFF;
	p2 =	slt.u32 s8, $0xFFFFF086  }
0x1c: {  	p1 =	slt.u32 s9, $0xF7A;
	s5 =	simm.s32 @!p2 $0x0  }
0x1d: {  	s5 =	simm.s32 @p1 $0x1;
	p0 =	seq.s32 s7, s2  }
0x1e: {  	s7 =	smul.u32 @!p0 $0xF7A, s2;
	p2 =	seq.s32 @!p0 s5, $0x0  }
0x1f: {  	s9 =	smul.u32 $0xF7A, s1;
	s8 =	simm.s32 @!p0 $0x1BF5;
	p2 =	por !p2, p0  }
0x20: {  	[sflag:s8] =	ssyncset.s32 @!p0 $0xFFFFF086;
	s6 =	sadd.s32 @!p0 s3, s7;
	s7 =	simm.s32 @!p0 $0x108  }
0x21: {  	s3 =	sadd.s32 s3, s9;
	s6 =	sadd.s32 @!p0 $0x88, s6;
	s7 =	simm.s32 @p2 $0x1082  }
0x22: {  	[simem:s7], [sflag:s8] =	dma.local @!p0 [hbm:s6], $0xF7A  }
0x23: {  	s9 =	sor.u32 $0xD0000000, s2;
	s6 =	simm.s32 $0x108;
	_ =	swait.ge @!p0 [sflag:s8], $0x0  }
0x24: {  	s3 =	sadd.s32 $0x88, s3;
	s6 =	simm.s32 @!p1 $0x1082;
	[sflag:s4] =	ssyncset.s32 $0xFFFFF086  }
0x25: {  	[simem:s6], [sflag:s4] =	dma.local [hbm:s3], $0xF7A  }
0x26: {  	[smem:$0x3F94] =	sst s1;
	(tag) =	ssettag s2;
	_ =	strace s9  }
0x27: {  	s1 =	sld [smem:$0x3FA4]  }
0x28: {  	s2 =	sld [smem:$0x3FA5]  }
0x29: {  	s4 =	sld [smem:$0x3FA7]  }
0x2a: {  	p0 =	seq.s32 s5, $0x0;
	s5 =	sld [smem:$0x3FA8]  }
0x2b: {  	s6 =	sld [smem:$0x3FA9]  }
0x2c: {  	s7 =	sld [smem:$0x3FAA]  }
0x2d: {  	s3 =	simm.s32 $0x108;
	s8 =	sld [smem:$0x3FAB]  }
0x2e: {  	s3 =	simm.s32 @!p0 $0x1082;
	s9 =	sld [smem:$0x3FAC]  }
0x2f: {  	lr =	sadd.s32 s0, s3;
	s0 =	sld [smem:$0x3FA3]  }
0x30: {  	s3 =	sld [smem:$0x3FA6]  }
0x31: {  	[smem:$0x3FAF] =	sst s10  }
0x32: {  	s10 =	sld [smem:$0x3FAD];
	_ =	sdelay $0x3  }
0x33: {  	p0 =	seq.s32 s10, $0x1;
	s10 =	sld [smem:$0x3FAF];
	_ =	sdelay $0x3  }
0x34: {  	[smem:$0x3FAF] =	sst s10  }
0x35: {  	s10 =	sld [smem:$0x3FAE];
	_ =	sdelay $0x3  }
0x36: {  	p1 =	seq.s32 s10, $0x1;
	s10 =	sld [smem:$0x3FAF];
	_ =	sdelay $0x3  }
0x37: {  	[smem:$0x3FAF] =	sst s10  }
0x38: {  	s10 =	sld [smem:$0x3FB0]  }
0x39: {  	_ = 	snop;
	(pc) =	sbr.ind lr, $3  }
0x3a: {  	_ = 	snop  }
0x3b: {  	_ = 	snop  }
0x3c: {  	p2 =	seq.s32 s10, $0x1;
	s10 =	sld [smem:$0x3FAF]  }
0x3d: {  	_ =	shalt  }
0x3e: {  	_ =	shalt  }
0x3f: {  	_ =	shalt  }
0x40: {  	_ =	shalt  }
0x41: {  	_ =	shalt  }
0x42: {  	_ =	shalt  }
0x43: {  	_ =	shalt  }
0x44: {  	_ =	shalt  }
0x45: {  	_ =	shalt  }
0x46: {  	_ =	shalt  }
0x47: {  	_ =	shalt  }
0x48: {  	_ =	shalt  }
0x49: {  	_ =	shalt  }
0x4a: {  	_ =	shalt  }
0x4b: {  	_ =	shalt  }
0x4c: {  	_ =	shalt  }
0x4d: {  	_ =	shalt  }
0x4e: {  	_ =	shalt  }
0x4f: {  	_ =	shalt  }
0x50: {  	_ =	shalt  }
0x51: {  	_ =	shalt  }
0x52: {  	_ =	shalt  }
0x53: {  	_ =	shalt  }
0x54: {  	_ =	shalt  }
0x55: {  	_ =	shalt  }
0x56: {  	_ =	shalt  }
0x57: {  	_ =	shalt  }
0x58: {  	_ =	shalt  }
0x59: {  	_ =	shalt  }
0x5a: {  	_ =	shalt  }
0x5b: {  	_ =	shalt  }
0x5c: {  	_ =	shalt  }
0x5d: {  	_ =	shalt  }
0x5e: {  	_ =	shalt  }
0x5f: {  	_ =	shalt  }
0x60: {  	_ =	shalt  }
0x61: {  	_ =	shalt  }
0x62: {  	_ =	shalt  }
0x63: {  	_ =	shalt  }
0x64: {  	_ =	shalt  }
0x65: {  	_ =	shalt  }
0x66: {  	_ =	shalt  }
0x67: {  	_ =	shalt  }
0x68: {  	_ =	shalt  }
0x69: {  	_ =	shalt  }
0x6a: {  	_ =	shalt  }
0x6b: {  	_ =	shalt  }
0x6c: {  	_ =	shalt  }
0x6d: {  	_ =	shalt  }
0x6e: {  	_ =	shalt  }
0x6f: {  	_ =	shalt  }
0x70: {  	_ =	shalt  }
0x71: {  	_ =	shalt  }
0x72: {  	_ =	shalt  }
0x73: {  	_ =	shalt  }
0x74: {  	_ =	shalt  }
0x75: {  	_ =	shalt  }
0x76: {  	_ =	shalt  }
0x77: {  	_ =	shalt  }
0x78: {  	_ =	shalt  }
0x79: {  	_ =	shalt  }
0x7a: {  	_ =	shalt  }
0x7b: {  	_ =	shalt  }
0x7c: {  	_ =	shalt  }
0x7d: {  	_ =	shalt  }
0x7e: {  	_ =	shalt  }
0x7f: {  	_ =	shalt  }
0x80: {  	_ =	shalt  }
0x81: {  	_ =	shalt  }
0x82: {  	_ =	shalt  }
0x83: {  	_ =	shalt  }
0x84: {  	_ =	shalt  }
0x85: {  	_ =	shalt  }
0x86: {  	_ =	shalt  }
0x87: {  	_ =	shalt  }
.Lfunc_end0:
.L_simem_size_0:
called_computation.1_lowered:
.L_overlay_start_0:
0x88: {  	s2 =	sld [smem:$0x3FD9]  }
0x89: {  	s3 =	sld [smem:$0x3FFE];
	_ =	sdelay $0x1  }
0x8a: {  	s1 =	srdreg.scid  }
0x8b: {  	s0 =	sand.u32 $0x1, s1  }
0x8c: {  	s17 =	sshll.u32 s0, $0xA;
	s2 =	sadd.s32 s3, s2  }
0x8d: {  	s2 =	sadd.s32 s2, s17  }
0x8e: {  	[smem:$0x3FBB] =	sst s2  }
0x8f: {  	_ = 	snop  }
0x90: {  	s18 =	sld [smem:$0x3FD0];
	(tm) =	ssettm $0x1  }
0x91: {  	s19 =	sld [smem:$0x3FFB];
	_ =	sdelay $0x3  }
0x92: {  	_ =	strace s19  }
0x93: {  	s2 =	sld [smem:$0x3FFC];
	_ =	sdelay $0x3  }
0x94: {  	_ =	strace s2  }
0x95: {  	s2 =	sld [smem:$0x3FFD];
	_ =	sdelay $0x3  }
0x96: {  	_ =	strace s2  }
0x97: {  	_ =	strace $0x8FFFFFFF  }
0x98: {  	s20 =	sld [smem:$0x3FDB];
	_ =	sdelay $0x1  }
0x99: {  	s4 =	simm.s32 $_scs_section_size  }
0x9a: {  	s5 =	simm.s32 $_size__tile_overlayer_lowered;
	s6 =	simm.s32 $_tile_overlayer_lowered  }
0x9b: {  	s7 =	simm.s32 $0x1BFF;
	s21 =	sshll.u32 s6, $0x1;
	s4 =	sadd.s32 s4, s20  }
0x9c: {  	s22 =	simm.s32 $0x0;
	s5 =	sshll.u32 s5, $0x1;
	s6 =	sadd.s32 s21, s4  }
0x9d: {  	[timem:s22], [sflag:s7] =	dma.local [hbm:s6], s5  }
0x9e: {  	_ =	swait.ge [sflag:s7], s5  }
0x9f: {  	s5 =	ssub.s32 $0x0, s5;
	[sflag:s7] =	ssyncset.done $0x0  }
0xa0: {  	[sflag:s7] =	ssyncadd.s32 s5;
	_ =	sdelay $0x1  }
0xa1: {  	s23 =	simm.s32 $0x1B8B  }
0xa2: {  	_ =	swait.ge [sflag:s23], $0x1  }
0xa3: {  	[sflag:s23] =	ssyncset.done $0x0  }
0xa4: {  	[sflag:s23] =	ssyncadd.s32 $0xFFFFFFFF  }
0xa5: {  	s5 =	sld [smem:$0x0]  }
0xa6: {  	s6 =	sand.u32 $0xFFFFFFFE, s1  }
0xa7: {  	p0 =	sne.s32 s1, s6  }
0xa8: {  	s6 =	sshll.u32 @p0 s6, $0xE  }
0xa9: {  	s6 =	sadd.s32 @p0 $0x11B8D, s6;
	s7 =	sshll.u32 @p0 s5, $0x11  }
0xaa: {  	s6 =	sor.u32 @p0 s7, s6  }
0xab: {  	[sflag:s6] =	ssyncadd.remote.s32 @p0 $0x1;
	_ =	sdelay $0x1  }
0xac: {  	s6 =	simm.s32 @p0 $0x1B8D  }
0xad: {  	_ =	swait.eq @p0 [sflag:s6], $0x1  }
0xae: {  	[sflag:s6] =	ssyncadd.s32 @p0 $0xFFFFFFFF  }
0xaf: {  	s7 =	sshll.u32 @!p0 s1, $0xE  }
0xb0: {  	s7 =	sor.u32 @!p0 $0x4000, s7;
	s6 =	simm.s32 @!p0 $0x1B8D  }
0xb1: {  	s5 =	sshll.u32 @!p0 s5, $0x11;
	s7 =	sadd.s32 @!p0 $0x11B8D, s7;
	_ =	swait.eq @!p0 [sflag:s6], $0x1  }
0xb2: {  	s5 =	sor.u32 @!p0 s5, s7;
	[sflag:s6] =	ssyncadd.s32 @!p0 $0xFFFFFFFF  }
0xb3: {  	s25 =	simm.s32 $0x1B8E;
	s24 =	sld [smem:$0x3FFE];
	[sflag:s5] =	ssyncadd.remote.s32 @!p0 $0x1  }
0xb4: {  	s26 =	simm.s32 $execute0_lowered;
	[smem:$0x3FD2] =	sst s25  }
0xb5: {  	s6 =	sshll.u32 s26, $0x1;
	_ =	strace $0x80000049;
	[dreg:$0x1] =	wrdreg $0xFFFFFFFF  }
0xb6: {  	s28 =	simm.s32 $_size_execute0_lowered;
	s4 =	sadd.s32 s4, s6;
	[dreg:$0x0] =	wrdreg $0x0  }
0xb7: {  	s6 =	sshll.u32 s28, $0x1;
	[dreg:$0x2] =	wrdreg s4  }
0xb8: {  	[dreg:$0x3] =	wrdreg s6  }
0xb9: {  	[dreg:$0x4] =	wrdreg $0xC0  }
0xba: {  	_ =	task [dreg:s22], $0x5FFFF  }
0xbb: {  	[dreg:$0x1] =	wrdreg $0xFFFFFFFF  }
0xbc: {  	[dreg:$0x0] =	wrdreg $0x60  }
0xbd: {  	[dreg:$0x2] =	wrdreg s24  }
0xbe: {  	[dreg:$0x3] =	wrdreg s18  }
0xbf: {  	[dreg:$0x4] =	wrdreg $0x1A000  }
0xc0: {  	[dreg:$0x5] =	wrdreg $0xA  }
0xc1: {  	_ =	task.clear_ibuf [dreg:s22], $0x6FFFF;
	_ =	strace $0x90000049  }
0xc2: {  	s29 =	simm.s32 $0xA;
	_ =	strace $0x8000004B  }
0xc3: {  	_ =	swait.ge [sflag:s29], $0x1  }
0xc4: {  	[sflag:s29] =	ssyncadd.s32 $0xFFFFFFFF  }
0xc5: {  	_ =	strace $0x9000004B  }
0xc6: {  	_ =	sfence  }
0xc7: {  	s30 =	sld [smem:$0x0];
	_ =	sdelay $0x2  }
0xc8: {  	s31 =	sshll.u32 s1, $0xD;
	s1 =	sshrl.u32 s1, $0x2  }
0xc9: {  	s4 =	sand.u32 $0x4000, s31;
	s1 =	sadd.s32 s1, s30  }
0xca: {  	s0 =	sor.u32 s4, s0;
	s1 =	sshll.u32 s1, $0x11  }
0xcb: {  	s0 =	sor.u32 s1, s0  }
0xcc: {  	s0 =	sadd.s32 $0x8F2B, s0  }
0xcd: {  	[sflag:s0] =	ssyncadd.remote.s32 $0x1  }
0xce: {  	_ =	sfence.sel $0xFFFF  }
0xcf: {  	[dreg:$0x0] =	wrdreg $0xFFFFFFFF;
	(pc) =	sbr.abs _section_cstart, $3  }
0xd0: {  	[dreg:$0x1] =	wrdreg $0xFFFFFFFF  }
0xd1: {  	_ =	task.clear_ibuf [dreg:s22], $0x2FFFF;
	_ =	strace $0x9FFFFFFF  }
0xd2: {  	(tm) =	ssettm $0x7FFFFFFF  }
0xd3: {  	_ =	shalt  }
tec
execute0_lowered:
.L_overlay_start_1:
0x0: {  	(tag) =	ssettag $0x1  }
0x1: {  	s4 =	rddreg [dreg:$0x0]  }
0x2: {  	s5 =	rddreg [dreg:$0x1]  }
0x3: {  	s0 =	srdreg.scid;
	s2 =	rddreg [dreg:$0x2]  }
0x4: {  	s1 =	rddreg [dreg:$0x3];
	s3 =	simm.s32 $0x0;
	s6 =	sand.u32 $0x1, s0  }
0x5: {  	s13 =	simm.s32 $0x20;
	s0 =	stileid.u32;
	s7 =	smul.u32 $0xC8000, s6  }
0x6: {  	s14 =	simm.s32 $0x10;
	[smem:$0x7FF] =	sst s3;
	s8 =	smul.u32 $0xC800, s0  }
0x7: {  	s15 =	simm.s32 $0x0;
	s29 =	smul.u32 $0x6400, s0;
	_ =	strace $0x8000004A  }
0x8: {  	s9 =	smul.u32 $0x3200, s0;
	s30 =	ssub.s32 $0x2, s6;
	s11 =	sshll.u32 s0, $0x6  }
0x9: {  	s6 =	sshll.u32 s6, $0x7;
	s10 =	sshrl.u32 s30, $0x1;
	s11 =	sor.u32 $0x1C01, s11  }
0xa: {  	s7 =	sadd.s32 s8, s7;
	s8 =	sshrl.u32 s29, $0x2;
	s6 =	sor.u32 s6, s9  }
0xb: {  	s31 =	ssub.s32 s30, s10;
	s9 =	simm.s32 $0x1;
	s7 =	sshrl.u32 s7, $0x3  }
0xc: {  	s10 =	simm.s32 $0x80;
	s6 =	sshrl.u32 s6, $0x3;
	s7 =	sadd.s32 s7, s4  }
0xd: {  	s4 =	sadd.s32 s8, s2;
	s5 =	sadd.s32 s5, s6;
	s6 =	smax.u32 s31, $0x1  }
0xe: {  	v0 =	vimm.f32 $1.000000000e+00;
	v1 =	vimm.f32 $0.0e+00;
	s8 =	simm.s32 $0x100;
	s7 =	sadd.s32 $0x495C00, s7;
	s12 =	sshrl.u32 s4, $0x3  }
.LBB2_1:
0xf: {  	[tilespmem:$0x80] =	vst v0  }
0x10: {  	[tilespmem:$0x90] =	vst v0  }
0x11: {  	[tilespmem:$0xA0] =	vst v0  }
0x12: {  	[tilespmem:$0xB0] =	vst v0  }
0x13: {  	[tilespmem:$0xC0] =	vst v0  }
0x14: {  	[tilespmem:$0xD0] =	vst v0  }
0x15: {  	[tilespmem:$0xE0] =	vst v0  }
0x16: {  	[tilespmem:$0xF0] =	vst v0;
	s16 =	simm.s32 $0x40;
	s17 =	simm.s32 $0x0  }
.LBB2_2:
0x17: {  	p0 =	sne.s32 s16, $0x63C0;
	[tilespmem:s17+$0x100] =	vst v1;
	s17 =	smov.u32 s16;
	s16 =	sadd.s32 $0x40, s16  }
.Ltmp0:
0x18: {  	(pc) =	sbr.rel @p0 .LBB2_2-.Ltmp0, $2  }
0x19: {  	_ =	sdelay $0x2  }
0x1a: {  	s17 =	sshra.s32 s17, $0x2  }
0x1b: {  	[tilespmem:s17+$0x100] =	vst v1  }
0x1c: {  	[spmem:s4] =	stream.linear.scatter [tilespmem:s8], [sflag:$0x1], $0x1900, $0x38;
	[tilespmem:$0x3300] =	vst v63  }
0x1d: {  	_ =	swait.ge [sflag:s9], $0x1900  }
0x1e: {  	[sflag:s9] =	ssyncset.done $0x0  }
0x1f: {  	[sflag:s9] =	ssyncadd.s32 $0xFFFFE700  }
0x20: {  	s16 =	sadd.s32 $0x0, s7;
	[bflag:$0x0] =	sbarrier.arrive $0xFFFF  }
0x21: {  	[tilespmem:s3], [sflag:$0x1] =	stream.linear.gather [hbm4b:s16+s3], $0x80, $0x38;
	[tilespmem:$0x3300] =	vst v63  }
0x22: {  	_ =	swait.ge [sflag:s9], $0x80  }
0x23: {  	[sflag:s9] =	ssyncset.done $0x0  }
0x24: {  	[sflag:s9] =	ssyncadd.s32 $0xFFFFFF80  }
0x25: {  	[spmem:s2] =	stream.indirect.scatter.add.f32 [tilespmem:s10], [sflag:$0x1], $0x1, s3, s10, $0xb8;
	[tilespmem:$0x3300] =	vst v63  }
0x26: {  	_ =	swait.ge [sflag:s9], $0x80  }
0x27: {  	s17 =	simm.s32 $0x20;
	s16 =	simm.s32 $0x10;
	[sflag:s9] =	ssyncset.done $0x0  }
.LBB2_4:
0x28: {  	s18 =	sadd.s32 s16, s7  }
0x29: {  	[sflag:s9] =	ssyncadd.s32 $0xFFFFFF80;
	s16 =	smov.u32 s17;
	s19 =	sadd.s32 $0x10, s17  }
0x2a: {  	[tilespmem:s3], [sflag:$0x1] =	stream.linear.gather [hbm4b:s18+s3], $0x80, $0x38;
	[tilespmem:$0x3300] =	vst v63  }
0x2b: {  	p0 =	sne.s32 s17, $0x18F0;
	_ =	swait.ge [sflag:s9], $0x80  }
.Ltmp1:
0x2c: {  	[sflag:s9] =	ssyncset.done $0x0;
	(pc) =	sbr.rel @p0 .LBB2_4-.Ltmp1, $4  }
0x2d: {  	[sflag:s9] =	ssyncadd.s32 $0xFFFFFF80  }
0x2e: {  	[spmem:s2] =	stream.indirect.scatter.add.f32 [tilespmem:s10], [sflag:$0x1], $0x1, s3, s10, $0xb8;
	[tilespmem:$0x3300] =	vst v63  }
0x2f: {  	_ =	swait.ge [sflag:s9], $0x80  }
0x30: {  	s17 =	smov.u32 s19;
	[sflag:s9] =	ssyncset.done $0x0  }
0x31: {  	s16 =	sadd.s32 s16, s7;
	[sflag:s9] =	ssyncadd.s32 $0xFFFFFF80  }
0x32: {  	[tilespmem:s3], [sflag:$0x1] =	stream.linear.gather [hbm4b:s16+s3], $0x80, $0x38;
	[tilespmem:$0x3300] =	vst v63  }
0x33: {  	_ =	swait.ge [sflag:s9], $0x80  }
0x34: {  	[sflag:s9] =	ssyncset.done $0x0  }
0x35: {  	[sflag:s9] =	ssyncadd.s32 $0xFFFFFF80  }
0x36: {  	[spmem:s2] =	stream.indirect.scatter.add.f32 [tilespmem:s10], [sflag:$0x1], $0x1, s3, s10, $0xb8;
	[tilespmem:$0x3300] =	vst v63  }
0x37: {  	_ =	swait.ge [sflag:s9], $0x80  }
0x38: {  	s15 =	sadd.s32 $0x1, s15;
	[sflag:s9] =	ssyncset.done $0x0  }
0x39: {  	p0 =	sne.s32 s15, s6;
	[sflag:s9] =	ssyncadd.s32 $0xFFFFFF80  }
.Ltmp2:
0x3a: {  	[bflag:$0x0] =	sbarrier.arrive $0xFFFF;
	(pc) =	sbr.rel @p0 .LBB2_1-.Ltmp2, $4  }
0x3b: {  	[hbm:s5@s13], [sflag:s11] =	dma.strided [spmem:s12@s14], $0x320, s9, $0x10   }
0x3c: {  	_ =	swait.ge [sflag:s9], $0x320  }
0x3d: {  	[sflag:s9] =	ssyncset.done $0x0  }
0x3e: {  	[sflag:s9] =	ssyncadd.s32 $0xFFFFFCE0  }
0x3f: {  	_ =	sfence.sel $0x180000  }
0x40: {  	[bflag:$0x0] =	sbarrier.arrive $0xFFFF  }
0x41: {  	p0 =	sne.s32 s0, $0x0;
	_ =	strace $0x9000004A  }
0x42: {  	s0 =	sadd.s32 @!p0 $0x100000, s1;
	[bflag:$0x2] =	sbarrier.arrive $0xFFFF  }
0x43: {  	[sflag:s0] =	ssyncadd.tile.s32 @!p0 $0x1;
	_ =	shalt  }
.Lfunc_end2:
_tile_overlayer_lowered:
.L_overlay_start_2:
0x44: {  	(tag) =	ssettag $0x2  }
0x45: {  	s0 =	rddreg [dreg:$0x0];
	s2 =	stileid.u32  }
0x46: {  	s1 =	rddreg [dreg:$0x1];
	p0 =	sne.s32 s2, $0x0  }
0x47: {  	s3 =	rddreg [dreg:$0x2];
	[bflag:$0x3] =	sbarrier.arrive $0xFFFF;
	s2 =	simm.s32 @!p0 $0x1C01  }
0x48: {  	[timem:s3], [sflag:s2] =	dma.local @!p0 [hbm:s0], s1  }
0x49: {  	s0 =	simm.s32 @!p0 $0x1  }
0x4a: {  	_ =	swait.ge @!p0 [sflag:s0], s1  }
0x4b: {  	s1 =	ssub.s32 @!p0 $0x0, s1;
	[sflag:s0] =	ssyncset.done @!p0 $0x0  }
0x4c: {  	[sflag:s0] =	ssyncadd.s32 @!p0 s1  }
0x4d: {  	[bflag:$0x3] =	sbarrier.arrive $0xFFFF  }
0x4e: {  	_ =	shalt  }

// kernel: kernel.9.cloned.1.call-start
scs
__scs_entry_jumppad:
0x0: {  	(pc) =	sbr.rel $0x88, $3  }
0x1: {  	(tag) =	ssettag $0x0;
	lr =	simm.s32 $0x1  }
0x2: {  	[smem:$0x3F94] =	sst lr;
	_ =	strace $0xD0000000  }
0x3: {  	_ = 	snop  }
0x4: {  	_ = 	snop  }
0x5: {  	_ = 	snop  }
0x6: {  	_ = 	snop  }
0x7: {  	_ = 	snop  }
__scs_overlays_trampoline_lowered:
0x8: {  	[smem:$0x3FA3] =	sst s0  }
0x9: {  	[smem:$0x3FA4] =	sst s1  }
0xa: {  	[smem:$0x3FA5] =	sst s2  }
0xb: {  	[smem:$0x3FA6] =	sst s3  }
0xc: {  	[smem:$0x3FA7] =	sst s4  }
0xd: {  	[smem:$0x3FA8] =	sst s5  }
0xe: {  	[smem:$0x3FA9] =	sst s6  }
0xf: {  	[smem:$0x3FAA] =	sst s7  }
0x10: {  	[smem:$0x3FAB] =	sst s8  }
0x11: {  	[smem:$0x3FAC] =	sst s9;
	s0 =	simm.s32 @!p0 $0x0  }
0x12: {  	s1 =	sld [smem:$0x3F92];
	s0 =	simm.s32 @p0 $0x1  }
0x13: {  	[smem:$0x3FAD] =	sst s0;
	s0 =	simm.s32 @!p1 $0x0  }
0x14: {  	s2 =	sld [smem:$0x3F91];
	s0 =	simm.s32 @p1 $0x1  }
0x15: {  	[smem:$0x3FAE] =	sst s0;
	s0 =	simm.s32 @!p2 $0x0  }
0x16: {  	s3 =	sld [smem:$0x3FDB];
	s0 =	simm.s32 @p2 $0x1  }
0x17: {  	s4 =	simm.s32 $0x1BF5;
	[smem:$0x3FB0] =	sst s0  }
0x18: {  	s0 =	sld [smem:$0x3F93];
	_ =	swait.ge [sflag:s4], $0x0  }
0x19: {  	s7 =	sld [smem:$0x3F94]  }
0x1a: {  	s8 =	sadd.s32 $0xFFFFE003, lr  }
0x1b: {  	s9 =	sadd.s32 $0xFFFFFEF7, lr;
	s5 =	simm.s32 $0xFFFFFFFF;
	p2 =	slt.u32 s8, $0xFFFFF086  }
0x1c: {  	p1 =	slt.u32 s9, $0xF7A;
	s5 =	simm.s32 @!p2 $0x0  }
0x1d: {  	s5 =	simm.s32 @p1 $0x1;
	p0 =	seq.s32 s7, s2  }
0x1e: {  	s7 =	smul.u32 @!p0 $0xF7A, s2;
	p2 =	seq.s32 @!p0 s5, $0x0  }
0x1f: {  	s9 =	smul.u32 $0xF7A, s1;
	s8 =	simm.s32 @!p0 $0x1BF5;
	p2 =	por !p2, p0  }
0x20: {  	[sflag:s8] =	ssyncset.s32 @!p0 $0xFFFFF086;
	s6 =	sadd.s32 @!p0 s3, s7;
	s7 =	simm.s32 @!p0 $0x108  }
0x21: {  	s3 =	sadd.s32 s3, s9;
	s6 =	sadd.s32 @!p0 $0x88, s6;
	s7 =	simm.s32 @p2 $0x1082  }
0x22: {  	[simem:s7], [sflag:s8] =	dma.local @!p0 [hbm:s6], $0xF7A  }
0x23: {  	s9 =	sor.u32 $0xD0000000, s2;
	s6 =	simm.s32 $0x108;
	_ =	swait.ge @!p0 [sflag:s8], $0x0  }
0x24: {  	s3 =	sadd.s32 $0x88, s3;
	s6 =	simm.s32 @!p1 $0x1082;
	[sflag:s4] =	ssyncset.s32 $0xFFFFF086  }
0x25: {  	[simem:s6], [sflag:s4] =	dma.local [hbm:s3], $0xF7A  }
0x26: {  	[smem:$0x3F94] =	sst s1;
	(tag) =	ssettag s2;
	_ =	strace s9  }
0x27: {  	s1 =	sld [smem:$0x3FA4]  }
0x28: {  	s2 =	sld [smem:$0x3FA5]  }
0x29: {  	s4 =	sld [smem:$0x3FA7]  }
0x2a: {  	p0 =	seq.s32 s5, $0x0;
	s5 =	sld [smem:$0x3FA8]  }
0x2b: {  	s6 =	sld [smem:$0x3FA9]  }
0x2c: {  	s7 =	sld [smem:$0x3FAA]  }
0x2d: {  	s3 =	simm.s32 $0x108;
	s8 =	sld [smem:$0x3FAB]  }
0x2e: {  	s3 =	simm.s32 @!p0 $0x1082;
	s9 =	sld [smem:$0x3FAC]  }
0x2f: {  	lr =	sadd.s32 s0, s3;
	s0 =	sld [smem:$0x3FA3]  }
0x30: {  	s3 =	sld [smem:$0x3FA6]  }
0x31: {  	[smem:$0x3FAF] =	sst s10  }
0x32: {  	s10 =	sld [smem:$0x3FAD];
	_ =	sdelay $0x3  }
0x33: {  	p0 =	seq.s32 s10, $0x1;
	s10 =	sld [smem:$0x3FAF];
	_ =	sdelay $0x3  }
0x34: {  	[smem:$0x3FAF] =	sst s10  }
0x35: {  	s10 =	sld [smem:$0x3FAE];
	_ =	sdelay $0x3  }
0x36: {  	p1 =	seq.s32 s10, $0x1;
	s10 =	sld [smem:$0x3FAF];
	_ =	sdelay $0x3  }
0x37: {  	[smem:$0x3FAF] =	sst s10  }
0x38: {  	s10 =	sld [smem:$0x3FB0]  }
0x39: {  	_ = 	snop;
	(pc) =	sbr.ind lr, $3  }
0x3a: {  	_ = 	snop  }
0x3b: {  	_ = 	snop  }
0x3c: {  	p2 =	seq.s32 s10, $0x1;
	s10 =	sld [smem:$0x3FAF]  }
0x3d: {  	_ =	shalt  }
0x3e: {  	_ =	shalt  }
0x3f: {  	_ =	shalt  }
0x40: {  	_ =	shalt  }
0x41: {  	_ =	shalt  }
0x42: {  	_ =	shalt  }
0x43: {  	_ =	shalt  }
0x44: {  	_ =	shalt  }
0x45: {  	_ =	shalt  }
0x46: {  	_ =	shalt  }
0x47: {  	_ =	shalt  }
0x48: {  	_ =	shalt  }
0x49: {  	_ =	shalt  }
0x4a: {  	_ =	shalt  }
0x4b: {  	_ =	shalt  }
0x4c: {  	_ =	shalt  }
0x4d: {  	_ =	shalt  }
0x4e: {  	_ =	shalt  }
0x4f: {  	_ =	shalt  }
0x50: {  	_ =	shalt  }
0x51: {  	_ =	shalt  }
0x52: {  	_ =	shalt  }
0x53: {  	_ =	shalt  }
0x54: {  	_ =	shalt  }
0x55: {  	_ =	shalt  }
0x56: {  	_ =	shalt  }
0x57: {  	_ =	shalt  }
0x58: {  	_ =	shalt  }
0x59: {  	_ =	shalt  }
0x5a: {  	_ =	shalt  }
0x5b: {  	_ =	shalt  }
0x5c: {  	_ =	shalt  }
0x5d: {  	_ =	shalt  }
0x5e: {  	_ =	shalt  }
0x5f: {  	_ =	shalt  }
0x60: {  	_ =	shalt  }
0x61: {  	_ =	shalt  }
0x62: {  	_ =	shalt  }
0x63: {  	_ =	shalt  }
0x64: {  	_ =	shalt  }
0x65: {  	_ =	shalt  }
0x66: {  	_ =	shalt  }
0x67: {  	_ =	shalt  }
0x68: {  	_ =	shalt  }
0x69: {  	_ =	shalt  }
0x6a: {  	_ =	shalt  }
0x6b: {  	_ =	shalt  }
0x6c: {  	_ =	shalt  }
0x6d: {  	_ =	shalt  }
0x6e: {  	_ =	shalt  }
0x6f: {  	_ =	shalt  }
0x70: {  	_ =	shalt  }
0x71: {  	_ =	shalt  }
0x72: {  	_ =	shalt  }
0x73: {  	_ =	shalt  }
0x74: {  	_ =	shalt  }
0x75: {  	_ =	shalt  }
0x76: {  	_ =	shalt  }
0x77: {  	_ =	shalt  }
0x78: {  	_ =	shalt  }
0x79: {  	_ =	shalt  }
0x7a: {  	_ =	shalt  }
0x7b: {  	_ =	shalt  }
0x7c: {  	_ =	shalt  }
0x7d: {  	_ =	shalt  }
0x7e: {  	_ =	shalt  }
0x7f: {  	_ =	shalt  }
0x80: {  	_ =	shalt  }
0x81: {  	_ =	shalt  }
0x82: {  	_ =	shalt  }
0x83: {  	_ =	shalt  }
0x84: {  	_ =	shalt  }
0x85: {  	_ =	shalt  }
0x86: {  	_ =	shalt  }
0x87: {  	_ =	shalt  }
.Lfunc_end0:
.L_simem_size_0:
called_computation.2_lowered:
.L_overlay_start_0:
0x88: {  	s2 =	sld [smem:$0x3FD9]  }
0x89: {  	s3 =	sld [smem:$0x3FFE];
	_ =	sdelay $0x1  }
0x8a: {  	s1 =	srdreg.scid  }
0x8b: {  	s0 =	sand.u32 $0x1, s1  }
0x8c: {  	s16 =	sshll.u32 s0, $0xA;
	s2 =	sadd.s32 s3, s2  }
0x8d: {  	s2 =	sadd.s32 s2, s16  }
0x8e: {  	[smem:$0x3FBB] =	sst s2  }
0x8f: {  	_ = 	snop  }
0x90: {  	(tm) =	ssettm $0x1  }
0x91: {  	s17 =	sld [smem:$0x3FFB];
	_ =	sdelay $0x3  }
0x92: {  	_ =	strace s17  }
0x93: {  	s2 =	sld [smem:$0x3FFC];
	_ =	sdelay $0x3  }
0x94: {  	_ =	strace s2  }
0x95: {  	s2 =	sld [smem:$0x3FFD];
	_ =	sdelay $0x3  }
0x96: {  	_ =	strace s2  }
0x97: {  	_ =	strace $0x8FFFFFFF  }
0x98: {  	s18 =	sld [smem:$0x3FDB];
	_ =	sdelay $0x1  }
0x99: {  	s19 =	simm.s32 $_scs_section_size  }
0x9a: {  	s4 =	simm.s32 $_size__tile_overlayer_lowered;
	s5 =	simm.s32 $_tile_overlayer_lowered  }
0x9b: {  	s22 =	simm.s32 $0x1BFF;
	s21 =	sshll.u32 s5, $0x1;
	s2 =	sadd.s32 s19, s18  }
0x9c: {  	s6 =	simm.s32 $0x0;
	s20 =	sshll.u32 s4, $0x1;
	s4 =	sadd.s32 s21, s2  }
0x9d: {  	[timem:s6], [sflag:s22] =	dma.local [hbm:s4], s20  }
0x9e: {  	_ =	swait.ge [sflag:s22], s20  }
0x9f: {  	s3 =	ssub.s32 $0x0, s20;
	[sflag:s22] =	ssyncset.done $0x0  }
0xa0: {  	[sflag:s22] =	ssyncadd.s32 s3;
	_ =	sdelay $0x1  }
0xa1: {  	s23 =	simm.s32 $0x1B8B  }
0xa2: {  	_ =	swait.ge [sflag:s23], $0x1  }
0xa3: {  	[sflag:s23] =	ssyncset.done $0x0  }
0xa4: {  	s25 =	simm.s32 $0x1B8E;
	s24 =	sld [smem:$0x3FFE];
	[sflag:s23] =	ssyncadd.s32 $0xFFFFFFFF  }
0xa5: {  	s26 =	simm.s32 $execute0_lowered;
	[smem:$0x3FD2] =	sst s25  }
0xa6: {  	s4 =	sshll.u32 s26, $0x1;
	_ =	strace $0x8000004C;
	[dreg:$0x1] =	wrdreg $0xFFFFFFFF  }
0xa7: {  	s28 =	simm.s32 $_size_execute0_lowered;
	s2 =	sadd.s32 s2, s4;
	[dreg:$0x0] =	wrdreg $0x0  }
0xa8: {  	s4 =	sshll.u32 s28, $0x1;
	[dreg:$0x2] =	wrdreg s2  }
0xa9: {  	[dreg:$0x3] =	wrdreg s4  }
0xaa: {  	[dreg:$0x4] =	wrdreg $0xC0  }
0xab: {  	_ =	task [dreg:s6], $0x5FFFF  }
0xac: {  	[dreg:$0x1] =	wrdreg $0xFFFFFFFF  }
0xad: {  	[dreg:$0x0] =	wrdreg $0x60  }
0xae: {  	[dreg:$0x2] =	wrdreg s24  }
0xaf: {  	[dreg:$0x3] =	wrdreg $0x10C000  }
0xb0: {  	[dreg:$0x4] =	wrdreg $0x9  }
0xb1: {  	_ =	task.clear_ibuf [dreg:s6], $0x5FFFF;
	_ =	strace $0x9000004C  }
0xb2: {  	s29 =	simm.s32 $0x9;
	_ =	strace $0x8000004E  }
0xb3: {  	_ =	swait.ge [sflag:s29], $0x1  }
0xb4: {  	[sflag:s29] =	ssyncadd.s32 $0xFFFFFFFF  }
0xb5: {  	_ =	strace $0x9000004E  }
0xb6: {  	_ =	sfence  }
0xb7: {  	s30 =	sld [smem:$0x0];
	_ =	sdelay $0x2  }
0xb8: {  	s31 =	sshll.u32 s1, $0xD;
	s1 =	sshrl.u32 s1, $0x2  }
0xb9: {  	s3 =	sand.u32 $0x4000, s31;
	s1 =	sadd.s32 s1, s30  }
0xba: {  	s0 =	sor.u32 s3, s0;
	s1 =	sshll.u32 s1, $0x11  }
0xbb: {  	s0 =	sor.u32 s1, s0  }
0xbc: {  	s0 =	sadd.s32 $0x8F2B, s0  }
0xbd: {  	[sflag:s0] =	ssyncadd.remote.s32 $0x1  }
0xbe: {  	_ =	sfence.sel $0xFFFF  }
0xbf: {  	[dreg:$0x0] =	wrdreg $0xFFFFFFFF;
	(pc) =	sbr.abs _section_cstart, $3  }
0xc0: {  	[dreg:$0x1] =	wrdreg $0xFFFFFFFF  }
0xc1: {  	_ =	task.clear_ibuf [dreg:s6], $0x2FFFF;
	_ =	strace $0x9FFFFFFF  }
0xc2: {  	(tm) =	ssettm $0x7FFFFFFF  }
0xc3: {  	_ =	shalt  }
tec
execute0_lowered:
.L_overlay_start_1:
0x0: {  	(tag) =	ssettag $0x1  }
0x1: {  	s0 =	rddreg [dreg:$0x0]  }
0x2: {  	s1 =	rddreg [dreg:$0x1];
	s2 =	simm.s32 $0x0;
	s4 =	stileid.u32  }
0x3: {  	s24 =	srdreg.scid;
	s12 =	simm.s32 $0x10400;
	s13 =	simm.s32 $0x3  }
0x4: {  	s15 =	simm.s32 $0x2000;
	s16 =	simm.s32 $0x3080;
	s17 =	simm.s32 $0x4100  }
0x5: {  	s18 =	simm.s32 $0x4300;
	s19 =	simm.s32 $0xC0;
	s20 =	simm.s32 $0xA400  }
0x6: {  	s21 =	simm.s32 $0x4200;
	s22 =	simm.s32 $0x4400;
	s3 =	sadd.s32 $0x4C7C00, s0  }
0x7: {  	s28 =	simm.s32 $0x0;
	s25 =	smul.u32 $0x1E00, s4;
	s5 =	sadd.s32 $0x495C00, s0  }
0x8: {  	[smem:$0x7FF] =	sst s2;
	s26 =	smul.u32 $0x3C000, s4;
	s7 =	sadd.s32 $0x4F9C00, s0  }
0x9: {  	s2 =	sand.u32 $0x1, s24;
	s8 =	smul.u32 $0x19000, s4;
	_ =	strace $0x8000004D  }
.Ltmp0:
0xa: {  	[dreg:$0x4] =	wrdreg s2;
	s2 =	ssub.s32 $0x2, s2;
	(pc) =	sbr.rel .LBB2_1-.Ltmp0, $4  }
0xb: {  	[dreg:$0x3] =	wrdreg s3;
	s0 =	sadd.s32 s25, s0;
	s29 =	sshrl.u32 s2, $0x1  }
0xc: {  	[dreg:$0x5] =	wrdreg s5;
	s2 =	ssub.s32 s2, s29;
	s0 =	sadd.s32 $0xE59C00, s0  }
0xd: {  	v0 =	vimm.f32 $0.0e+00;
	v3 =	vlaneseq.u32;
	s30 =	sshrl.u32 s26, $0x2;
	[dreg:$0x6] =	wrdreg s0;
	s31 =	smax.u32 s2, $0x1  }
0xe: {  	v1 =	vimm.s32 $0x0;
	v2 =	vimm.s32 $0xA00;
	v3 =	vmul.u32 $0x3, v3;
	s9 =	sadd.s32 s30, s1;
	s2 =	simm.s32 $0x0;
	[dreg:$0x7] =	wrdreg s31  }
.LBB2_22:
0xf: {  	s2 =	rddreg [dreg:$0x8]  }
0x10: {  	s0 =	rddreg [dreg:$0x7];
	s2 =	sadd.s32 $0x1, s2  }
0x11: {  	p0 =	sne.s32 s2, s0  }
.Ltmp1:
0x12: {  	_ = 	snop;
	(pc) =	sbr.rel @!p0 .LBB2_23-.Ltmp1, $1  }
0x13: {  	_ =	sdelay $0x3  }
.LBB2_1:
0x14: {  	s31 =	simm.s32 $0x0  }
0x15: {  	s0 =	sand.u32 $0x1E00, s31  }
0x16: {  	[dreg:$0x8] =	wrdreg s2;
	s2 =	sand.u32 $0x70, s31;
	s3 =	sshrl.u32 s0, $0x2  }
0x17: {  	s0 =	simm.s32 $0x40;
	s3 =	sor.u32 s2, s3;
	s2 =	simm.s32 $0x0  }
.LBB2_2:
0x18: {  	p0 =	sne.s32 s0, $0x1FC0  }
0x19: {  	[tilespmem:s3+$0x10400] =	vst v0;
	s2 =	sadd.s32 $0x10, s2;
	s3 =	smov.u32 s0;
	s0 =	sadd.s32 $0x40, s0  }
.Ltmp2:
0x1a: {  	(pc) =	sbr.rel @p0 .LBB2_2-.Ltmp2, $4  }
0x1b: {  	_ = 	snop  }
0x1c: {  	s3 =	sand.u32 $0x1E00, s3  }
0x1d: {  	s5 =	sand.u32 $0x70, s2;
	s3 =	sshrl.u32 s3, $0x2  }
0x1e: {  	s24 =	simm.s32 $0x0;
	s3 =	sor.u32 s5, s3  }
.Ltmp3:
0x1f: {  	(pc) =	sbr.rel .LBB2_4-.Ltmp3, $2  }
0x20: {  	_ =	sdelay $0x2  }
0x21: {  	[tilespmem:s3+$0x10400] =	vst v0  }
.LBB2_21:
0x22: {  	s0 =	sand.u32 $0x1, s2  }
0x23: {  	p0 =	slt.s32 s2, $0x1;
	p1 =	seq.s32 s0, $0x1  }
0x24: {  	p2 =	por !p1, p0  }
0x25: {  	s3 =	simm.s32 @!p2 $0x1  }
0x26: {  	p3 =	sne.s32 @!p0 s0, $0x0;
	_ =	swait.ge @!p2 [sflag:s3], $0x6000  }
0x27: {  	p0 =	por p3, p0;
	[sflag:s3] =	ssyncset.done @!p2 $0x0  }
0x28: {  	[sflag:s3] =	ssyncadd.s32 @!p2 $0xFFFFA000;
	s3 =	simm.s32 @!p0 $0x2  }
0x29: {  	p1 =	por !p1, !p1;
	p2 =	slt.s32 s2, $0x2;
	_ =	swait.ge @!p0 [sflag:s3], $0x6000  }
0x2a: {  	p1 =	por p2, p1;
	[sflag:s3] =	ssyncset.done @!p0 $0x0  }
0x2b: {  	s2 =	simm.s32 @!p1 $0x2;
	[sflag:s3] =	ssyncadd.s32 @!p0 $0xFFFFA000  }
0x2c: {  	p0 =	sne.s32 @!p2 s0, $0x0;
	_ =	swait.ge @!p1 [sflag:s2], $0x6000  }
0x2d: {  	p0 =	por p0, p2;
	[sflag:s2] =	ssyncset.done @!p1 $0x0  }
0x2e: {  	s0 =	simm.s32 @!p0 $0x1;
	[sflag:s2] =	ssyncadd.s32 @!p1 $0xFFFFA000  }
0x2f: {  	_ =	swait.ge @!p0 [sflag:s0], $0x6000  }
0x30: {  	[sflag:s0] =	ssyncset.done @!p0 $0x0  }
0x31: {  	s29 =	stileid.u32;
	s26 =	rddreg [dreg:$0x9];
	[sflag:s0] =	ssyncadd.s32 @!p0 $0xFFFFA000  }
0x32: {  	s31 =	sshrl.u32 s9, $0x3;
	s0 =	smul.u32 $0x1E000, s26;
	[bflag:$0x0] =	sbarrier.arrive $0xFFFF  }
0x33: {  	s24 =	sadd.s32 $0x1, s24;
	s2 =	sshll.u32 s29, $0x6;
	s30 =	rddreg [dreg:$0x6]  }
0x34: {  	s2 =	sor.u32 $0x1C03, s2;
	p0 =	sne.s32 s24, $0x14;
	s0 =	sadd.s32 s30, s0  }
0x35: {  	[hbm:s0], [sflag:s2] =	dma.local [spmem:s31], $0x1E00  }
.Ltmp4:
0x36: {  	_ =	swait.ge [sflag:s13], $0x1E00;
	(pc) =	sbr.rel @!p0 .LBB2_22-.Ltmp4, $3  }
0x37: {  	[sflag:s13] =	ssyncset.done $0x0  }
0x38: {  	[sflag:s13] =	ssyncadd.s32 $0xFFFFE200  }
0x39: {  	[bflag:$0x0] =	sbarrier.arrive $0xFFFF;
	_ =	sdelay $0x1  }
.LBB2_4:
0x3a: {  	s0 =	sadd.s32 $0x0, s9  }
0x3b: {  	[spmem:s0] =	stream.linear.scatter [tilespmem:s12], [sflag:$0x3], $0x800, $0x38;
	[tilespmem:$0x1FCC0] =	vst v63  }
0x3c: {  	s0 =	simm.s32 $0x2000;
	_ =	swait.ge [sflag:s13], $0x800  }
.LBB2_5:
0x3d: {  	s2 =	sshra.s32 s0, $0x2;
	[sflag:s13] =	ssyncset.done $0x0;
	p0 =	sne.s32 s0, $0x3A000  }
.Ltmp5:
0x3e: {  	s2 =	sadd.s32 s2, s9;
	[sflag:s13] =	ssyncadd.s32 $0xFFFFF800;
	(pc) =	sbr.rel @p0 .LBB2_5-.Ltmp5, $3  }
0x3f: {  	[spmem:s2] =	stream.linear.scatter [tilespmem:s12], [sflag:$0x3], $0x800, $0x38;
	[tilespmem:$0x1FCC0] =	vst v63  }
0x40: {  	s0 =	sadd.s32 $0x2000, s0;
	_ =	sdelay $0x1  }
0x41: {  	_ =	swait.ge [sflag:s13], $0x800  }
.Ltmp6:
0x42: {  	s0 =	sshll.u32 s24, $0x1;
	s2 =	rddreg [dreg:$0x4];
	(pc) =	sbr.rel .LBB2_7-.Ltmp6, $4  }
0x43: {  	[sflag:s13] =	ssyncset.done $0x0;
	s0 =	sor.u32 s2, s0  }
0x44: {  	[sflag:s13] =	ssyncadd.s32 $0xFFFFF800;
	[dreg:$0x9] =	wrdreg s0;
	s0 =	smul.u32 $0xFFFFF600, s0  }
0x45: {  	[bflag:$0x0] =	sbarrier.arrive $0xFFFF  }
0x46: {  	s29 =	simm.s32 $0x0;
	s2 =	simm.s32 $0x0;
	v4 =	vmov s0  }
.LBB2_19:
0x47: {  	s2 =	sadd.s32 s30, s2  }
0x48: {  	s2 =	sadd.s32 s0, s2  }
.LBB2_20:
0x49: {  	s29 =	sadd.s32 $0x1, s29  }
0x4a: {  	p0 =	sne.s32 s29, $0x19  }
.Ltmp7:
0x4b: {  	_ = 	snop;
	(pc) =	sbr.rel @!p0 .LBB2_21-.Ltmp7, $1  }
0x4c: {  	_ =	sdelay $0x3  }
.LBB2_7:
0x4d: {  	s0 =	sshll.u32 s29, $0xC  }
0x4e: {  	s0 =	sadd.s32 s8, s0  }
0x4f: {  	s3 =	rddreg [dreg:$0x3];
	s0 =	sshrl.u32 s0, $0x3  }
0x50: {  	s3 =	sadd.s32 s3, s0  }
0x51: {  	[tilespmem:s28], [sflag:$0x3] =	stream.linear.gather [hbm4b:s3+s28], $0x1000, $0x38;
	[tilespmem:$0x1FCC0] =	vst v63  }
0x52: {  	_ =	swait.ge [sflag:s13], $0x1000  }
0x53: {  	[sflag:s13] =	ssyncset.done $0x0;
	s26 =	rddreg [dreg:$0x5]  }
0x54: {  	s30 =	simm.s32 $0x1000;
	[sflag:s13] =	ssyncadd.s32 $0xFFFFF000;
	s0 =	sadd.s32 s26, s0  }
0x55: {  	[tilespmem:s30], [sflag:$0x3] =	stream.linear.gather [hbm4b:s0+s28], $0x1000, $0x38;
	[tilespmem:$0x1FCC0] =	vst v63  }
0x56: {  	_ =	swait.ge [sflag:s13], $0x1000  }
0x57: {  	[sflag:s13] =	ssyncset.done $0x0  }
0x58: {  	s31 =	simm.s32 $0x0;
	[sflag:s13] =	ssyncadd.s32 $0xFFFFF000  }
0x59: {  	v5 =	vld [tilespmem:s31+$0x1000];
	_ =	sdelay $0x4  }
0x5a: {  	v5 =	vadd.s32 v4, v5  }
0x5b: {  	vm0 =	vlt.u32 v5, $0xA00  }
0x5c: {  	v6 =	vsel vm0, $0x1, v1  }
0x5d: {  	(xrf0) =	vadd.scan.msk.s32 $0xffff, v6;
	_ =	sdelay $0x2  }
0x5e: {  	v6 =	vmov s28  }
0x5f: {  	v6 =	vadd.s32 $0xFFFFFFFF, v6  }
0x60: {  	v6 =	vbroadcast v6, $0x0  }
0x61: {  	v7, _, _ =	vpop (xrf0)  }
0x62: {  	v6 =	vadd.s32 v7, v6;
	(v2sf) =	vpush v7, $0xF  }
0x63: {  	vm1 =	vgt.s32 v6, $0x0  }
0x64: {  	v8 =	vld [tilespmem:s31+$0x0];
	v6 =	vnsel vm1, $0x0, v6;
	_ =	sdelay $0x4  }
0x65: {  	[tilespmem:v6+s15+$0x0] =	vst.idx.msk vm0, v8  }
0x66: {  	s5 =	simm.s32 $0x80;
	s3 =	simm.s32 $0x0;
	s0 =	simm.s32 $0x10;
	[tilespmem:v6+s16+$0x0] =	vst.idx.msk vm0, v5  }
.LBB2_8:
0x67: {  	p0 =	sne.s32 s5, $0x3FC0;
	v5 =	vld [tilespmem:s0+$0x1000];
	_ =	sdelay $0x4  }
0x68: {  	v5 =	vadd.s32 v4, v5  }
0x69: {  	vm0 =	vlt.u32 v5, $0xA00;
	s10 =	spop (v2sf)  }
0x6a: {  	v6 =	vsel vm0, $0x1, v1;
	s3 =	sadd.s32 s3, s10  }
0x6b: {  	v7 =	vmov s3;
	(xrf0) =	vadd.scan.msk.s32 $0xffff, v6  }
0x6c: {  	v6 =	vadd.s32 $0xFFFFFFFF, v7  }
0x6d: {  	v6 =	vbroadcast v6, $0x0;
	_ =	sdelay $0x3  }
0x6e: {  	v7, _, _ =	vpop (xrf0)  }
0x6f: {  	v6 =	vadd.s32 v7, v6;
	(v2sf) =	vpush v7, $0xF  }
0x70: {  	vm1 =	vgt.s32 v6, $0x0  }
0x71: {  	v7 =	vld [tilespmem:s0+$0x0];
	v6 =	vnsel vm1, $0x0, v6;
	_ =	sdelay $0x1  }
.Ltmp8:
0x72: {  	(pc) =	sbr.rel @p0 .LBB2_8-.Ltmp8, $3  }
0x73: {  	_ =	sdelay $0x1  }
0x74: {  	[tilespmem:v6+s15+$0x0] =	vst.idx.msk vm0, v7  }
0x75: {  	s0 =	sshra.s32 s5, $0x2;
	s5 =	sadd.s32 $0x40, s5;
	[tilespmem:v6+s16+$0x0] =	vst.idx.msk vm0, v5  }
0x76: {  	v5 =	vld [tilespmem:s0+$0x1000];
	_ =	sdelay $0x4  }
0x77: {  	v5 =	vadd.s32 v4, v5  }
0x78: {  	vm0 =	vlt.u32 v5, $0xA00  }
0x79: {  	v6 =	vsel vm0, $0x1, v1  }
0x7a: {  	(xrf0) =	vadd.scan.msk.s32 $0xffff, v6;
	_ =	sdelay $0x5  }
0x7b: {  	v6, _, _ =	vpop (xrf0)  }
0x7c: {  	(v2sf) =	vpush v6, $0xF;
	_ =	sdelay $0x6  }
0x7d: {  	s5 =	spop (v2sf)  }
0x7e: {  	s3 =	sadd.s32 s3, s5  }
0x7f: {  	v7 =	vmov s3  }
0x80: {  	v7 =	vadd.s32 $0xFFFFFFFF, v7  }
0x81: {  	v7 =	vbroadcast v7, $0x0;
	_ =	sdelay $0x1  }
0x82: {  	v6 =	vadd.s32 v6, v7  }
0x83: {  	vm1 =	vgt.s32 v6, $0x0  }
0x84: {  	v7 =	vld [tilespmem:s0+$0x0];
	v6 =	vnsel vm1, $0x0, v6;
	s23 =	spop (v2sf)  }
0x85: {  	s0 =	sadd.s32 s3, s23  }
0x86: {  	s3 =	sadd.s32 $0x3F, s0  }
0x87: {  	s25 =	sand.u32 $0x3F, s3  }
0x88: {  	s26 =	sshra.s32 s3, $0x1F;
	p1 =	slt.s32 s3, $0x1;
	p0 =	sne.s32 s25, $0x0  }
0x89: {  	[tilespmem:v6+s15+$0x0] =	vst.idx.msk vm0, v7;
	s5 =	sshrl.u32 s26, $0x1A;
	p0 =	por !p1, !p0  }
0x8a: {  	[tilespmem:v6+s16+$0x0] =	vst.idx.msk vm0, v5;
	s3 =	sadd.s32 s5, s3;
	s5 =	simm.s32 $0x1;
	p0 =	por !p0, !p0  }
0x8b: {  	[tilespmem:s0+$0x2000] =	vst v1;
	s30 =	sshra.s32 s3, $0x6;
	s5 =	simm.s32 @!p0 $0x0  }
0x8c: {  	[tilespmem:s0+$0x3080] =	vst v2;
	s31 =	ssub.s32 s30, s5  }
0x8d: {  	[tilespmem:s0+$0x2010] =	vst v1;
	p1 =	slt.s32 s31, $0x1  }
.Ltmp9:
0x8e: {  	[tilespmem:s0+$0x3090] =	vst v2;
	(pc) =	sbr.rel @p1 .LBB2_20-.Ltmp9, $4  }
0x8f: {  	[tilespmem:s0+$0x2020] =	vst v1  }
0x90: {  	[tilespmem:s0+$0x30A0] =	vst v2  }
0x91: {  	[tilespmem:s0+$0x2030] =	vst v1  }
0x92: {  	[tilespmem:s0+$0x30B0] =	vst v2  }
.Ltmp10:
0x93: {  	(pc) =	sbr.rel .LBB2_11-.Ltmp10, $3  }
0x94: {  	_ =	sdelay $0x1  }
0x95: {  	s0 =	simm.s32 $0xFFFFFFFF;
	s3 =	simm.s32 $0x0;
	s25 =	simm.s32 $0x2000  }
0x96: {  	s14 =	simm.s32 $0x3080;
	s26 =	smov.u32 s2;
	s0 =	simm.s32 @!p0 $0x0  }
.LBB2_18:
0x97: {  	s3 =	sadd.s32 $0x1, s3  }
0x98: {  	p0 =	sne.s32 s3, s31  }
.Ltmp11:
0x99: {  	_ = 	snop;
	(pc) =	sbr.rel @!p0 .LBB2_19-.Ltmp11, $2  }
0x9a: {  	_ =	sdelay $0x2  }
0x9b: {  	s26 =	sadd.s32 $0x1, s26;
	s25 =	sadd.s32 $0x40, s25;
	s14 =	sadd.s32 $0x40, s14  }
.LBB2_11:
0x9c: {  	s5 =	sand.u32 $0x1, s26  }
0x9d: {  	p0 =	seq.s32 s5, $0x1  }
.Ltmp12:
0x9e: {  	_ = 	snop;
	(pc) =	sbr.rel @p0 .LBB2_15-.Ltmp12, $1  }
0x9f: {  	_ =	sdelay $0x3  }
0xa0: {  	p0 =	slt.s32 s26, $0x2  }
0xa1: {  	s10 =	simm.s32 @!p0 $0x1  }
0xa2: {  	_ =	swait.ge @!p0 [sflag:s10], $0x6000  }
0xa3: {  	[sflag:s10] =	ssyncset.done @!p0 $0x0  }
0xa4: {  	[sflag:s10] =	ssyncadd.s32 @!p0 $0xFFFFA000  }
0xa5: {  	v5 =	vld [tilespmem:s25+$0x0]  }
0xa6: {  	s6 =	simm.s32 $0x0;
	v6 =	vld [tilespmem:s14+$0x0]  }
0xa7: {  	v7 =	vadd.s32 s6, v3  }
0xa8: {  	s11 =	simm.s32 $0x1  }
0xa9: {  	v8 =	vadd.s32 s11, v3  }
0xaa: {  	s23 =	simm.s32 $0x2;
	v9 =	vmul.u32 $0x3, v5  }
0xab: {  	v6 =	vmul.u32 $0x3, v6;
	v5 =	vadd.s32 s23, v3  }
0xac: {  	[tilespmem:v7+s17+$0x0] =	vst.idx.msk $0xffff, v9  }
0xad: {  	[tilespmem:v7+s21+$0x0] =	vst.idx.msk $0xffff, v6;
	v7 =	vadd.s32 $0x1, v9  }
0xae: {  	[tilespmem:v8+s17+$0x0] =	vst.idx.msk $0xffff, v7;
	v7 =	vadd.s32 $0x1, v6  }
0xaf: {  	[tilespmem:v8+s21+$0x0] =	vst.idx.msk $0xffff, v7;
	v7 =	vadd.s32 $0x2, v9  }
0xb0: {  	s11 =	smov.u32 s25;
	s10 =	simm.s32 $0x32;
	s23 =	smov.u32 s14;
	v6 =	vadd.s32 $0x2, v6;
	[tilespmem:v5+s17+$0x0] =	vst.idx.msk $0xffff, v7  }
.LBB2_13:
0xb1: {  	p0 =	sne.s32 s10, $0x92;
	[tilespmem:v5+s21+$0x0] =	vst.idx.msk $0xffff, v6;
	s11 =	sadd.s32 $0x10, s11;
	s23 =	sadd.s32 $0x10, s23  }
0xb2: {  	s4 =	smov.u32 s10;
	s10 =	sadd.s32 $0x30, s10;
	v5 =	vld [tilespmem:s11+$0x0]  }
0xb3: {  	s6 =	sadd.s32 $0xFFFFFFFE, s4;
	v6 =	vld [tilespmem:s23+$0x0]  }
0xb4: {  	v7 =	vadd.s32 s6, v3  }
0xb5: {  	s6 =	sadd.s32 $0xFFFFFFFF, s4  }
0xb6: {  	v8 =	vadd.s32 s6, v3  }
0xb7: {  	v9 =	vmul.u32 $0x3, v5  }
0xb8: {  	v5 =	vadd.s32 s4, v3;
	v6 =	vmul.u32 $0x3, v6  }
.Ltmp13:
0xb9: {  	[tilespmem:v7+s17+$0x0] =	vst.idx.msk $0xffff, v9;
	(pc) =	sbr.rel @p0 .LBB2_13-.Ltmp13, $4  }
0xba: {  	[tilespmem:v7+s21+$0x0] =	vst.idx.msk $0xffff, v6;
	v7 =	vadd.s32 $0x1, v9  }
0xbb: {  	[tilespmem:v8+s17+$0x0] =	vst.idx.msk $0xffff, v7;
	v7 =	vadd.s32 $0x1, v6  }
0xbc: {  	[tilespmem:v8+s21+$0x0] =	vst.idx.msk $0xffff, v7;
	v7 =	vadd.s32 $0x2, v9  }
0xbd: {  	v6 =	vadd.s32 $0x2, v6;
	[tilespmem:v5+s17+$0x0] =	vst.idx.msk $0xffff, v7  }
0xbe: {  	_ =	sdelay $0x3  }
0xbf: {  	[tilespmem:v5+s21+$0x0] =	vst.idx.msk $0xffff, v6;
	p0 =	seq.s32 s5, $0x0  }
0xc0: {  	[tilespmem:s22], [sflag:$0x3] =	stream.indirect.gather [hbm4b:s7+s19], $0x80, s17, s19, $0xb8;
	[tilespmem:$0x1FCC0] =	vst v63  }
.Ltmp14:
0xc1: {  	_ = 	snop;
	(pc) =	sbr.rel @p0 .LBB2_18-.Ltmp14, $4  }
0xc2: {  	_ =	swait.ge [sflag:s13], $0x6000  }
0xc3: {  	[sflag:s13] =	ssyncset.done $0x0  }
0xc4: {  	[sflag:s13] =	ssyncadd.s32 $0xFFFFA000  }
0xc5: {  	[spmem:s1] =	stream.indirect.scatter.add.f32 [tilespmem:s22], [sflag:$0x1], $0x80, s21, s19, $0xb8;
	[tilespmem:$0x1FCC0] =	vst v63  }
.LBB2_15:
0xc6: {  	p0 =	slt.s32 s26, $0x2  }
0xc7: {  	s4 =	simm.s32 @!p0 $0x2  }
0xc8: {  	_ =	swait.ge @!p0 [sflag:s4], $0x6000  }
0xc9: {  	[sflag:s4] =	ssyncset.done @!p0 $0x0  }
0xca: {  	[sflag:s4] =	ssyncadd.s32 @!p0 $0xFFFFA000  }
0xcb: {  	v5 =	vld [tilespmem:s25+$0x0]  }
0xcc: {  	s10 =	simm.s32 $0x0;
	v6 =	vld [tilespmem:s14+$0x0]  }
0xcd: {  	v7 =	vadd.s32 s10, v3  }
0xce: {  	s11 =	simm.s32 $0x1  }
0xcf: {  	v8 =	vadd.s32 s11, v3  }
0xd0: {  	s23 =	simm.s32 $0x2;
	v9 =	vmul.u32 $0x3, v5  }
0xd1: {  	v6 =	vmul.u32 $0x3, v6;
	v5 =	vadd.s32 s23, v3  }
0xd2: {  	[tilespmem:v7+s17+$0x0] =	vst.idx.msk $0xffff, v9  }
0xd3: {  	[tilespmem:v7+s18+$0x0] =	vst.idx.msk $0xffff, v6;
	v7 =	vadd.s32 $0x1, v9  }
0xd4: {  	[tilespmem:v8+s17+$0x0] =	vst.idx.msk $0xffff, v7;
	v7 =	vadd.s32 $0x1, v6  }
0xd5: {  	[tilespmem:v8+s18+$0x0] =	vst.idx.msk $0xffff, v7;
	v7 =	vadd.s32 $0x2, v9  }
0xd6: {  	s5 =	simm.s32 $0x32;
	s10 =	smov.u32 s25;
	s11 =	smov.u32 s14;
	v6 =	vadd.s32 $0x2, v6;
	[tilespmem:v5+s17+$0x0] =	vst.idx.msk $0xffff, v7  }
.LBB2_16:
0xd7: {  	p0 =	sne.s32 s5, $0x92;
	[tilespmem:v5+s18+$0x0] =	vst.idx.msk $0xffff, v6;
	s10 =	sadd.s32 $0x10, s10;
	s11 =	sadd.s32 $0x10, s11  }
0xd8: {  	s4 =	smov.u32 s5;
	s5 =	sadd.s32 $0x30, s5;
	v5 =	vld [tilespmem:s10+$0x0]  }
0xd9: {  	s6 =	sadd.s32 $0xFFFFFFFE, s4;
	v6 =	vld [tilespmem:s11+$0x0]  }
0xda: {  	v7 =	vadd.s32 s6, v3  }
0xdb: {  	s6 =	sadd.s32 $0xFFFFFFFF, s4  }
0xdc: {  	v8 =	vadd.s32 s6, v3  }
0xdd: {  	v9 =	vmul.u32 $0x3, v5  }
0xde: {  	v5 =	vadd.s32 s4, v3;
	v6 =	vmul.u32 $0x3, v6  }
.Ltmp15:
0xdf: {  	[tilespmem:v7+s17+$0x0] =	vst.idx.msk $0xffff, v9;
	(pc) =	sbr.rel @p0 .LBB2_16-.Ltmp15, $4  }
0xe0: {  	[tilespmem:v7+s18+$0x0] =	vst.idx.msk $0xffff, v6;
	v7 =	vadd.s32 $0x1, v9  }
0xe1: {  	[tilespmem:v8+s17+$0x0] =	vst.idx.msk $0xffff, v7;
	v7 =	vadd.s32 $0x1, v6  }
0xe2: {  	[tilespmem:v8+s18+$0x0] =	vst.idx.msk $0xffff, v7;
	v7 =	vadd.s32 $0x2, v9  }
0xe3: {  	v6 =	vadd.s32 $0x2, v6;
	[tilespmem:v5+s17+$0x0] =	vst.idx.msk $0xffff, v7  }
0xe4: {  	_ =	sdelay $0x3  }
0xe5: {  	[tilespmem:v5+s18+$0x0] =	vst.idx.msk $0xffff, v6  }
0xe6: {  	[tilespmem:s20], [sflag:$0x3] =	stream.indirect.gather [hbm4b:s7+s19], $0x80, s17, s19, $0xb8;
	[tilespmem:$0x1FCC0] =	vst v63  }
.Ltmp16:
0xe7: {  	_ = 	snop;
	(pc) =	sbr.rel .LBB2_18-.Ltmp16, $4  }
0xe8: {  	_ =	swait.ge [sflag:s13], $0x6000  }
0xe9: {  	[sflag:s13] =	ssyncset.done $0x0  }
0xea: {  	[sflag:s13] =	ssyncadd.s32 $0xFFFFA000  }
0xeb: {  	[spmem:s1] =	stream.indirect.scatter.add.f32 [tilespmem:s20], [sflag:$0x2], $0x80, s18, s19, $0xb8;
	[tilespmem:$0x1FCC0] =	vst v63  }
.LBB2_23:
0xec: {  	_ =	sfence.sel $0x180000  }
0xed: {  	[bflag:$0x0] =	sbarrier.arrive $0xFFFF  }
0xee: {  	_ =	strace $0x9000004D  }
0xef: {  	s0 =	stileid.u32;
	[bflag:$0x2] =	sbarrier.arrive $0xFFFF  }
0xf0: {  	p0 =	sne.s32 s0, $0x0;
	s0 =	rddreg [dreg:$0x2]  }
0xf1: {  	s0 =	sadd.s32 @!p0 $0x100000, s0  }
0xf2: {  	[sflag:s0] =	ssyncadd.tile.s32 @!p0 $0x1;
	_ =	shalt  }
.Lfunc_end2:
_tile_overlayer_lowered:
.L_overlay_start_2:
0xf3: {  	(tag) =	ssettag $0x2  }
0xf4: {  	s0 =	rddreg [dreg:$0x0];
	s2 =	stileid.u32  }
0xf5: {  	s1 =	rddreg [dreg:$0x1];
	p0 =	sne.s32 s2, $0x0  }
0xf6: {  	s3 =	rddreg [dreg:$0x2];
	[bflag:$0x3] =	sbarrier.arrive $0xFFFF;
	s2 =	simm.s32 @!p0 $0x1C03  }
0xf7: {  	[timem:s3], [sflag:s2] =	dma.local @!p0 [hbm:s0], s1  }
0xf8: {  	s0 =	simm.s32 @!p0 $0x3  }
0xf9: {  	_ =	swait.ge @!p0 [sflag:s0], s1  }
0xfa: {  	s1 =	ssub.s32 @!p0 $0x0, s1;
	[sflag:s0] =	ssyncset.done @!p0 $0x0  }
0xfb: {  	[sflag:s0] =	ssyncadd.s32 @!p0 s1  }
0xfc: {  	[bflag:$0x3] =	sbarrier.arrive $0xFFFF  }
0xfd: {  	_ =	shalt  }

// kernel: sparse-core-data-format-call.cloned.1.call-start
scs
called_computation_lowered:
.L_overlay_start_0:
0x0: {  	s2 =	sld [smem:$0x3FD9]  }
0x1: {  	s3 =	sld [smem:$0x3FFE];
	_ =	sdelay $0x1  }
0x2: {  	s1 =	srdreg.scid  }
0x3: {  	s0 =	sand.u32 $0x1, s1  }
0x4: {  	s18 =	sshll.u32 s0, $0xA;
	s2 =	sadd.s32 s3, s2  }
0x5: {  	s2 =	sadd.s32 s2, s18  }
0x6: {  	[smem:$0x3FBB] =	sst s2  }
0x7: {  	_ = 	snop  }
0x8: {  	s2 =	sld [smem:$0x3FC9];
	(tm) =	ssettm $0x1  }
0x9: {  	s19 =	sld [smem:$0x3FFB];
	_ =	sdelay $0x3  }
0xa: {  	_ =	strace s19  }
0xb: {  	s3 =	sld [smem:$0x3FFC];
	_ =	sdelay $0x3  }
0xc: {  	_ =	strace s3  }
0xd: {  	s3 =	sld [smem:$0x3FFD];
	_ =	sdelay $0x3  }
0xe: {  	_ =	strace s3  }
0xf: {  	_ =	strace $0x8FFFFFFF  }
0x10: {  	s20 =	sld [smem:$0x3FDB];
	_ =	sdelay $0x1  }
0x11: {  	s4 =	simm.s32 $_scs_section_size  }
0x12: {  	s5 =	simm.s32 $_size__tile_overlayer_lowered;
	s6 =	simm.s32 $_tile_overlayer_lowered  }
0x13: {  	s23 =	simm.s32 $0x1BFF;
	s22 =	sshll.u32 s6, $0x1;
	s3 =	sadd.s32 s4, s20  }
0x14: {  	s7 =	simm.s32 $0x0;
	s21 =	sshll.u32 s5, $0x1;
	s5 =	sadd.s32 s22, s3  }
0x15: {  	[timem:s7], [sflag:s23] =	dma.local [hbm:s5], s21  }
0x16: {  	_ =	swait.ge [sflag:s23], s21  }
0x17: {  	s4 =	ssub.s32 $0x0, s21;
	[sflag:s23] =	ssyncset.done $0x0  }
0x18: {  	[sflag:s23] =	ssyncadd.s32 s4;
	_ =	sdelay $0x1  }
0x19: {  	s24 =	simm.s32 $0x1B8B  }
0x1a: {  	_ =	swait.ge [sflag:s24], $0x1  }
0x1b: {  	[sflag:s24] =	ssyncset.done $0x0  }
0x1c: {  	s26 =	simm.s32 $0x1B8E;
	s25 =	sld [smem:$0x3FFE];
	[sflag:s24] =	ssyncadd.s32 $0xFFFFFFFF  }
0x1d: {  	s27 =	simm.s32 $execute0_lowered;
	[smem:$0x3FD2] =	sst s26  }
0x1e: {  	s5 =	sshll.u32 s27, $0x1;
	_ =	strace $0x80000046;
	[dreg:$0x1] =	wrdreg $0xFFFFFFFF  }
0x1f: {  	s28 =	simm.s32 $_size_execute0_lowered;
	s3 =	sadd.s32 s3, s5;
	[dreg:$0x0] =	wrdreg $0x0  }
0x20: {  	s5 =	sshll.u32 s28, $0x1;
	[dreg:$0x2] =	wrdreg s3  }
0x21: {  	[dreg:$0x3] =	wrdreg s5  }
0x22: {  	[dreg:$0x4] =	wrdreg $0xC0  }
0x23: {  	_ =	task [dreg:s7], $0x5FFFF  }
0x24: {  	[dreg:$0x1] =	wrdreg $0xFFFFFFFF  }
0x25: {  	[dreg:$0x0] =	wrdreg $0x60  }
0x26: {  	[dreg:$0x2] =	wrdreg s2  }
0x27: {  	[dreg:$0x3] =	wrdreg s25  }
0x28: {  	[dreg:$0x4] =	wrdreg $0x9  }
0x29: {  	_ =	task.clear_ibuf [dreg:s7], $0x5FFFF;
	_ =	strace $0x90000046  }
0x2a: {  	s29 =	simm.s32 $0x9;
	_ =	strace $0x80000048  }
0x2b: {  	_ =	swait.ge [sflag:s29], $0x1  }
0x2c: {  	[sflag:s29] =	ssyncadd.s32 $0xFFFFFFFF  }
0x2d: {  	_ =	strace $0x90000048  }
0x2e: {  	_ =	sfence  }
0x2f: {  	s30 =	sld [smem:$0x0];
	_ =	sdelay $0x2  }
0x30: {  	s31 =	sshll.u32 s1, $0xD;
	s1 =	sshrl.u32 s1, $0x2  }
0x31: {  	s3 =	sand.u32 $0x4000, s31;
	s1 =	sadd.s32 s1, s30  }
0x32: {  	s0 =	sor.u32 s3, s0;
	s1 =	sshll.u32 s1, $0x11  }
0x33: {  	s0 =	sor.u32 s1, s0  }
0x34: {  	s0 =	sadd.s32 $0x8F2B, s0  }
0x35: {  	[sflag:s0] =	ssyncadd.remote.s32 $0x1  }
0x36: {  	_ =	sfence.sel $0xFFFF  }
0x37: {  	[dreg:$0x0] =	wrdreg $0xFFFFFFFF;
	(pc) =	sbr.abs _section_cstart, $3  }
0x38: {  	[dreg:$0x1] =	wrdreg $0xFFFFFFFF  }
0x39: {  	_ =	task.clear_ibuf [dreg:s7], $0x2FFFF;
	_ =	strace $0x9FFFFFFF  }
0x3a: {  	(tm) =	ssettm $0x7FFFFFFF  }
0x3b: {  	_ =	shalt  }
tec
execute0_lowered:
.L_overlay_start_1:
0x0: {  	(tag) =	ssettag $0x1  }
0x1: {  	s2 =	rddreg [dreg:$0x0]  }
0x2: {  	s0 =	srdreg.scid;
	s5 =	rddreg [dreg:$0x1]  }
0x3: {  	s31 =	simm.s32 $0x2;
	s15 =	simm.s32 $0x0;
	s1 =	sshll.u32 s0, $0x4  }
0x4: {  	p0 =	por $0x0, $0x0;
	s0 =	stileid.u32;
	s1 =	sand.u32 $0x10, s1  }
0x5: {  	s8 =	simm.s32 $0xC00;
	s14 =	simm.s32 $0x0;
	s1 =	sor.u32 s0, s1  }
0x6: {  	s9 =	simm.s32 $0x0;
	s10 =	simm.s32 $0x0;
	s3 =	sshll.u32 s1, $0x7  }
.Ltmp0:
0x7: {  	s12 =	simm.s32 $0x0;
	s4 =	ssub.s32 $0x18680, s3;
	(pc) =	sbr.rel .LBB1_1-.Ltmp0, $4  }
0x8: {  	s13 =	simm.s32 $0x0;
	s1 =	rddreg [dreg:$0x2];
	s6 =	sshrl.u32 s4, $0xC  }
0x9: {  	_ =	strace $0x80000047;
	s4 =	simm.s32 $0x1;
	s7 =	smul.u32 $0x3, s6  }
0xa: {  	s5 =	sadd.s32 $0x1E00, s5;
	s11 =	smov.u32 s3;
	[sflag:s4] =	ssyncpa.u1 $0x0  }
0xb: {  	[sflag:s31] =	ssyncpa.u1 $0x0;
	s6 =	sadd.s32 $0x3, s7;
	s7 =	sadd.s32 $0x4, s7  }
.LBB1_5:
0xc: {  	p1 =	slt.u32 s13, $0x2  }
0xd: {  	s17 =	smov.u32 s15;
	p2 =	sgt.s32 @!p1 s15, $0x18620;
	s16 =	sshra.s32 @!p1 s15, $0x1F  }
0xe: {  	p3 =	sgt.s32 @!p1 s14, $0x100;
	s18 =	sshra.s32 @!p1 s14, $0x1F;
	p2 =	por !p2, p1  }
0xf: {  	s15 =	sand.u32 @!p1 s16, s15;
	p3 =	por !p3, p1;
	s16 =	smov.u32 s14  }
0x10: {  	s14 =	sand.u32 @!p1 s18, s14;
	s17 =	simm.s32 @p2 $0x18620;
	s16 =	simm.s32 @p3 $0x100  }
0x11: {  	s15 =	ssub.s32 @!p1 s17, s15;
	s14 =	ssub.s32 @!p1 s16, s14  }
0x12: {  	s18 =	smov.u32 s12;
	s16 =	sadd.s32 @!p1 $0xFFFE79E0, s15;
	s17 =	sadd.s32 @!p1 $0xFFFFFF00, s14  }
0x13: {  	s15 =	ssub.s32 @!p1 $0x186A0, s15;
	p2 =	sgt.s32 @!p1 s16, $0x7F;
	p3 =	sgt.s32 @!p1 s17, $0x7F  }
0x14: {  	s14 =	ssub.s32 @!p1 $0x180, s14;
	p2 =	por !p2, p1;
	p3 =	por !p3, p1  }
0x15: {  	s16 =	sadd.s32 $0x1000, s11;
	s15 =	simm.s32 @!p2 $0x0;
	s14 =	simm.s32 @!p3 $0x0  }
0x16: {  	p2 =	sgt.s32 s16, $0x1869F;
	s14 =	smul.u32 @!p1 s14, s15;
	s15 =	sadd.s32 $0x80, s12  }
0x17: {  	s18 =	smov.u32 @p2 s15  }
0x18: {  	s16 =	smov.u32 @p2 s3;
	p2 =	sgt.s32 s18, $0x17F  }
0x19: {  	s18 =	simm.s32 @p2 $0x0;
	p2 =	sne.s32 s13, s7  }
.Ltmp1:
0x1a: {  	p0 =	por !p0, !p0;
	s17 =	simm.s32 @!p1 $0x2;
	(pc) =	sbr.rel @!p2 .LBB1_6-.Ltmp1, $4  }
0x1b: {  	s15 =	smov.u32 s9;
	s9 =	smov.u32 s11;
	s14 =	sand.u32 @!p1 $0x3FFFFFFF, s14  }
0x1c: {  	s11 =	smov.u32 s16;
	_ =	swait.ge @!p1 [sflag:s17], s14;
	s19 =	ssub.s32 @!p1 $0x0, s14  }
0x1d: {  	s14 =	smov.u32 s10;
	s13 =	sadd.s32 $0x1, s13;
	[sflag:s17] =	ssyncset.done @!p1 $0x0  }
0x1e: {  	s10 =	smov.u32 s12;
	s12 =	smov.u32 s18;
	[sflag:s17] =	ssyncadd.s32 @!p1 s19  }
.LBB1_1:
0x1f: {  	p1 =	sge.u32 s13, s6  }
0x20: {  	s16 =	sshrl.u32 @!p1 s12, $0x3  }
0x21: {  	s17 =	sshll.u32 @!p1 s11, $0x3;
	s16 =	smul.u32 @!p1 $0xC3800, s16  }
0x22: {  	s18 =	sshll.u32 @!p1 s12, $0x7;
	s17 =	sand.u32 @!p1 $0xFFFFFC00, s17  }
0x23: {  	s16 =	sadd.s32 @!p1 s16, s17;
	s17 =	sand.u32 @!p1 $0x380, s18  }
0x24: {  	s16 =	sor.u32 @!p1 s17, s16  }
0x25: {  	s18 =	sand.u32 @!p1 $0x7F, s11;
	s17 =	smulhi.u32 @!p1 $0xA79C7B17, s16  }
0x26: {  	s16 =	sor.u32 @!p1 s18, s16  }
0x27: {  	s19 =	smulhi.u32 @!p1 $0xA79C7B17, s16;
	s17 =	sshrl.u32 @!p1 s17, $0x10  }
0x28: {  	s18 =	smul.u32 @!p1 $0xAAAB, s17  }
0x29: {  	s19 =	sshrl.u32 @!p1 s19, $0x10  }
0x2a: {  	s19 =	smul.u32 @!p1 $0x18700, s19;
	s18 =	sshrl.u32 @!p1 s18, $0x18  }
0x2b: {  	s18 =	smul.u32 @!p1 $0x180, s18;
	_ =	sdelay $0x1  }
0x2c: {  	s16 =	ssub.s32 @!p1 s16, s19;
	s17 =	ssub.s32 @!p1 s17, s18  }
0x2d: {  	s19 =	sshrl.u32 @!p1 s16, $0x3;
	s16 =	sand.u32 @!p1 $0x7, s16;
	s17 =	sand.u32 @!p1 $0xFFFF, s17  }
0x2e: {  	s18 =	sxor.u32 @!p1 $0xFFFFFFFF, s13;
	s16 =	sshll.u32 @!p1 s16, $0x12;
	s17 =	smul.u32 @!p1 $0x30E0, s17  }
0x2f: {  	s19 =	sadd.s32 @!p1 s2, s19;
	s18 =	sshll.u32 @!p1 s18, $0xE;
	s16 =	sor.u32 @!p1 $0x400, s16  }
0x30: {  	s18 =	sand.u32 @!p1 $0x4000, s18;
	s17 =	sadd.s32 @!p1 s17, s19;
	s19 =	simm.s32 @!p1 $0xC3800  }
0x31: {  	[tilespmem:s18], [sflag:$0x1] =	stream.strided.gather @!p1 [hbm4b:s17+s16], $0x4000, s19, s16, $0x38;
	[tilespmem:$0x10100] =	vst v63  }
0x32: {  	p1 =	seq.s32 s13, $0x0  }
0x33: {  	p2 =	sge.u32 @!p1 s13, s7  }
0x34: {  	p1 =	por p1, p2  }
.Ltmp2:
0x35: {  	_ = 	snop;
	(pc) =	sbr.rel @p1 .LBB1_5-.Ltmp2, $1  }
0x36: {  	_ =	sdelay $0x3  }
0x37: {  	s16 =	simm.s32 $0x1  }
0x38: {  	_ =	swait.ge [sflag:s4], $0x4000;
	s16 =	simm.s32 @!p0 $0x0  }
0x39: {  	[sflag:s4] =	ssyncset.done $0x0;
	s17 =	sshll.u32 s16, $0xE  }
0x3a: {  	[sflag:s4] =	ssyncadd.s32 $0xFFFFC000;
	s17 =	sor.u32 $0x40, s17  }
0x3b: {  	s16 =	smul.u32 $0x10200, s16;
	v0 =	vld [tilespmem:s17+$0x30]  }
0x3c: {  	v1 =	vld [tilespmem:s17+$0xFFFFFFD0]  }
0x3d: {  	s16 =	sshrl.u32 s16, $0x2;
	v5 =	vld [tilespmem:s17+$0xFFFFFFE0]  }
0x3e: {  	v6 =	vld [tilespmem:s17+$0xFFFFFFF0];
	s19 =	sor.u32 $0x8000, s16  }
0x3f: {  	s31 =	sand.u32 $0x1, s13;
	v4 =	vld [tilespmem:s17+$0x0];
	s18 =	sadd.s32 $0x0, s19  }
0x40: {  	v3 =	vld [tilespmem:s17+$0x10];
	s16 =	smul.u32 $0x10200, s31;
	[tilespmem:s18+$0x3870 ss:$0x81] =	vst.msk $0xffff, v0  }
0x41: {  	v2 =	vld [tilespmem:s17+$0x20];
	[tilespmem:s18+$0x810 ss:$0x81] =	vst.msk $0xffff, v1  }
0x42: {  	s16 =	sshrl.u32 s16, $0x2;
	v0 =	vld [tilespmem:s17+$0xFFFFFFC0];
	[tilespmem:s18+$0x1020 ss:$0x81] =	vst.msk $0xffff, v5;
	s17 =	sadd.s32 $0x80, s17  }
0x43: {  	s20 =	simm.s32 $0x4;
	s21 =	simm.s32 $0x8;
	s16 =	sor.u32 $0x8000, s16;
	[tilespmem:s18+$0x1830 ss:$0x81] =	vst.msk $0xffff, v6;
	v1 =	vld [tilespmem:s17+$0x30]  }
.LBB1_3:
0x44: {  	p1 =	sne.s32 s21, $0x1FC;
	v5 =	vld [tilespmem:s17+$0xFFFFFFD0];
	[tilespmem:s18+$0x2040 ss:$0x81] =	vst.msk $0xffff, v4  }
0x45: {  	v6 =	vld [tilespmem:s17+$0xFFFFFFE0];
	[tilespmem:s18+$0x2850 ss:$0x81] =	vst.msk $0xffff, v3  }
0x46: {  	s22 =	sshra.s32 s20, $0x2;
	s20 =	smov.u32 s21;
	v7 =	vld [tilespmem:s17+$0xFFFFFFF0];
	[tilespmem:s18+$0x3060 ss:$0x81] =	vst.msk $0xffff, v2  }
.Ltmp3:
0x47: {  	v4 =	vld [tilespmem:s17+$0x0];
	[tilespmem:s18+$0x0 ss:$0x81] =	vst.msk $0xffff, v0;
	s18 =	sadd.s32 s22, s19;
	(pc) =	sbr.rel @p1 .LBB1_3-.Ltmp3, $4  }
0x48: {  	v3 =	vld [tilespmem:s17+$0x10];
	[tilespmem:s18+$0x3870 ss:$0x81] =	vst.msk $0xffff, v1  }
0x49: {  	[tilespmem:s18+$0x810 ss:$0x81] =	vst.msk $0xffff, v5;
	v2 =	vld [tilespmem:s17+$0x20]  }
0x4a: {  	v0 =	vld [tilespmem:s17+$0xFFFFFFC0];
	[tilespmem:s18+$0x1020 ss:$0x81] =	vst.msk $0xffff, v6;
	s17 =	sadd.s32 $0x80, s17  }
0x4b: {  	s21 =	sadd.s32 $0x4, s21;
	v1 =	vld [tilespmem:s17+$0x30];
	[tilespmem:s18+$0x1830 ss:$0x81] =	vst.msk $0xffff, v7  }
0x4c: {  	s21 =	sshrl.u32 s9, $0x3  }
0x4d: {  	s22 =	sshll.u32 s10, $0x3;
	s23 =	sshll.u32 s9, $0x7;
	s20 =	sshra.s32 s20, $0x2  }
0x4e: {  	s29 =	sand.u32 $0x7F, s10;
	p1 =	sgt.s32 s9, $0x18620;
	s21 =	smul.u32 $0xC00, s21  }
0x4f: {  	s24 =	sshra.s32 s9, $0x1F;
	s25 =	sshra.s32 s10, $0x1F;
	s22 =	sand.u32 $0xFFFFFC00, s22  }
0x50: {  	s28 =	sand.u32 $0x380, s23;
	s23 =	smov.u32 s9;
	s21 =	sadd.s32 s22, s21  }
0x51: {  	s24 =	sand.u32 s24, s9;
	s25 =	sand.u32 s25, s10;
	s21 =	sor.u32 s28, s21  }
0x52: {  	s23 =	simm.s32 @!p1 $0x18620;
	s30 =	sor.u32 s29, s21;
	s21 =	smulhi.u32 $0xAAAAAAAB, s21  }
0x53: {  	v5 =	vld [tilespmem:s17+$0xFFFFFFD0];
	[tilespmem:s18+$0x2040 ss:$0x81] =	vst.msk $0xffff, v4;
	p1 =	sgt.s32 s10, $0x100;
	s23 =	ssub.s32 s23, s24;
	s24 =	smov.u32 s10  }
0x54: {  	v58 =	vld [tilespmem:s17+$0xFFFFFFE0];
	[tilespmem:s18+$0x2850 ss:$0x81] =	vst.msk $0xffff, v3;
	s24 =	simm.s32 @!p1 $0x100;
	s31 =	smulhi.u32 $0xAAAAAAAB, s30;
	s21 =	sshrl.u32 s21, $0x8  }
0x55: {  	v59 =	vld [tilespmem:s17+$0xFFFFFFF0];
	[tilespmem:s18+$0x3060 ss:$0x81] =	vst.msk $0xffff, v2;
	s27 =	sadd.s32 $0xFFFE79E0, s23;
	s24 =	ssub.s32 s24, s25;
	s26 =	smulhi.u32 $0x14F8B59, s21  }
0x56: {  	v60 =	vld [tilespmem:s17+$0x0];
	s19 =	sadd.s32 s20, s19;
	[tilespmem:s18+$0x0 ss:$0x81] =	vst.msk $0xffff, v0;
	p1 =	sgt.s32 s27, $0x7F;
	s28 =	sadd.s32 $0xFFFFFF00, s24  }
0x57: {  	v61 =	vld [tilespmem:s17+$0x10];
	[tilespmem:s19+$0x3870 ss:$0x81] =	vst.msk $0xffff, v1;
	p2 =	sgt.s32 s28, $0x7F;
	s22 =	sshrl.u32 s31, $0x8;
	s18 =	sshrl.u32 s26, $0x9  }
0x58: {  	v62 =	vld [tilespmem:s17+$0x20];
	[tilespmem:s19+$0x810 ss:$0x81] =	vst.msk $0xffff, v5;
	s29 =	smul.u32 $0x186A0, s18;
	s18 =	ssub.s32 $0x186A0, s23;
	s23 =	ssub.s32 $0x180, s24  }
0x59: {  	v63 =	vld [tilespmem:s17+$0xFFFFFFC0];
	[tilespmem:s19+$0x1020 ss:$0x81] =	vst.msk $0xffff, v58;
	s22 =	smul.u32 $0x180, s22;
	s18 =	simm.s32 @p1 $0x0;
	s23 =	simm.s32 @p2 $0x0  }
0x5a: {  	[tilespmem:s19+$0x1830 ss:$0x81] =	vst.msk $0xffff, v59;
	s18 =	smul.u32 s23, s18  }
.Ltmp4:
0x5b: {  	[tilespmem:s19+$0x2040 ss:$0x81] =	vst.msk $0xffff, v60;
	s20 =	ssub.s32 s30, s22;
	s17 =	ssub.s32 s21, s29;
	(pc) =	sbr.rel .LBB1_5-.Ltmp4, $4  }
0x5c: {  	[tilespmem:s19+$0x2850 ss:$0x81] =	vst.msk $0xffff, v61;
	s30 =	sshrl.u32 s20, $0x3;
	s20 =	sand.u32 $0x7, s20;
	s17 =	smul.u32 $0x30, s17  }
0x5d: {  	[tilespmem:s19+$0x3060 ss:$0x81] =	vst.msk $0xffff, v62;
	s21 =	sadd.s32 s5, s30;
	s20 =	sshll.u32 s20, $0x12  }
0x5e: {  	[tilespmem:s19+$0x0 ss:$0x81] =	vst.msk $0xffff, v63;
	s31 =	sor.u32 $0x400, s20;
	s18 =	sand.u32 $0x3FFFFFFF, s18;
	s17 =	sadd.s32 s17, s21  }
0x5f: {  	[hbm4b:s17+s31] =	stream.strided.scatter [tilespmem:s16], [sflag:$0x2], s18, s8, s31, $0x20;
	[tilespmem:$0x10100] =	vst v63  }
.LBB1_6:
0x60: {  	_ =	sfence.sel $0x180000  }
0x61: {  	s2 =	simm.s32 $0x1;
	[bflag:$0x0] =	sbarrier.arrive $0xFFFF  }
0x62: {  	s31 =	simm.s32 $0x2;
	[sflag:s2] =	ssyncpa.u1 $0x1  }
0x63: {  	[sflag:s31] =	ssyncpa.u1 $0x1  }
0x64: {  	p0 =	sne.s32 s0, $0x0;
	_ =	strace $0x90000047  }
0x65: {  	s0 =	sadd.s32 @!p0 $0x100000, s1;
	[bflag:$0x2] =	sbarrier.arrive $0xFFFF  }
0x66: {  	[sflag:s0] =	ssyncadd.tile.s32 @!p0 $0x1;
	_ =	shalt  }
.Lfunc_end1:
_tile_overlayer_lowered:
.L_overlay_start_2:
0x67: {  	(tag) =	ssettag $0x2  }
0x68: {  	s0 =	rddreg [dreg:$0x0];
	s2 =	stileid.u32  }
0x69: {  	s1 =	rddreg [dreg:$0x1];
	p0 =	sne.s32 s2, $0x0  }
0x6a: {  	s3 =	rddreg [dreg:$0x2];
	[bflag:$0x3] =	sbarrier.arrive $0xFFFF;
	s2 =	simm.s32 @!p0 $0x1C01  }
0x6b: {  	[timem:s3], [sflag:s2] =	dma.local @!p0 [hbm:s0], s1  }
0x6c: {  	s0 =	simm.s32 @!p0 $0x1  }
0x6d: {  	_ =	swait.ge @!p0 [sflag:s0], s1  }
0x6e: {  	s1 =	ssub.s32 @!p0 $0x0, s1;
	[sflag:s0] =	ssyncset.done @!p0 $0x0  }
0x6f: {  	[sflag:s0] =	ssyncadd.s32 @!p0 s1  }
0x70: {  	[bflag:$0x3] =	sbarrier.arrive $0xFFFF  }
0x71: {  	_ =	shalt  }

</sc_bundles>
